<compile_context>
chip_gen: v7x
topology: tpu7x:2x2x1
jax: 0.10.2.dev20260603
libtpu: 0.0.44.dev20260713+nightly
codegen_flags: <defaults>
</compile_context>

<pallas_src>
import functools

import jax
import jax.numpy as jnp
from jax import lax
from jax.experimental import pallas as pl
from jax.experimental.pallas import tpu as pltpu
from jax.experimental.pallas import tpu_sc as plsc

N = 8192
E = 16
K = 2
H = 78
HP = 128
RH = 1234
RHP = 1280
W0 = 30.0
T = 256
MAXT = N * K // T + E
P = MAXT * T
RB = 512
NB = N // RB

def _dot(a, b):
    return lax.dot_general(a, b, (((1,), (0,)), ((), ())),
                           preferred_element_type=jnp.float32)



def _router_body(ctx_ref, rw1_ref, rb1_ref, rw2_ref, rb2_ref,
                 topi_ref, gate_ref):
    h = jnp.maximum(_dot(ctx_ref[...], rw1_ref[...]) + rb1_ref[...], 0.0)
    lg = _dot(h, rw2_ref[...]) + rb2_ref[...]
    lane = lax.broadcasted_iota(jnp.int32, (RB, HP), 1)
    lg = jnp.where(lane < E, lg, -1e30)
    v0 = jnp.max(lg, axis=1, keepdims=True)
    i0 = jnp.argmax(lg, axis=1).astype(jnp.int32)
    lg2 = jnp.where(lane == i0[:, None], -1e30, lg)
    v1 = jnp.max(lg2, axis=1, keepdims=True)
    i1 = jnp.argmax(lg2, axis=1).astype(jnp.int32)
    g0 = 1.0 / (1.0 + jnp.exp(v1 - v0))
    topi_ref[:, 0:1] = i0[:, None]
    topi_ref[:, 1:2] = i1[:, None]
    gate_ref[:, 0:1] = g0
    gate_ref[:, 1:2] = 1.0 - g0


def _router(context, rw1p, rb1p, rw2p, rb2p):
    return pl.pallas_call(
        _router_body,
        grid=(NB,),
        in_specs=[
            pl.BlockSpec((RB, 64), lambda i: (i, 0)),
            pl.BlockSpec((64, RHP), lambda i: (0, 0)),
            pl.BlockSpec((1, RHP), lambda i: (0, 0)),
            pl.BlockSpec((RHP, HP), lambda i: (0, 0)),
            pl.BlockSpec((1, HP), lambda i: (0, 0)),
        ],
        out_specs=[
            pl.BlockSpec((RB, K), lambda i: (i, 0)),
            pl.BlockSpec((RB, K), lambda i: (i, 0)),
        ],
        out_shape=[
            jax.ShapeDtypeStruct((N, K), jnp.int32),
            jax.ShapeDtypeStruct((N, K), jnp.float32),
        ],
    )(context, rw1p, rb1p, rw2p, rb2p)



def _sc_gather(table, idx, D, nchunk):
    B = idx.shape[0]
    NW = 32
    bpw = B // NW
    csz = bpw // nchunk

    @functools.partial(
        pl.kernel,
        out_type=jax.ShapeDtypeStruct((B, D), jnp.float32),
        mesh=plsc.VectorSubcoreMesh(core_axis_name="c", subcore_axis_name="s"),
        scratch_types=[
            pltpu.VMEM((bpw,), jnp.int32),
            pltpu.VMEM((bpw, D), jnp.float32),
            pltpu.SemaphoreType.DMA,
        ],
    )
    def k(table_hbm, idx_hbm, out_hbm, idx_v, rows_v, sem):
        wid = lax.axis_index("s") * 2 + lax.axis_index("c")
        base = wid * bpw
        pltpu.sync_copy(idx_hbm.at[pl.ds(base, bpw)], idx_v)
        copies = []
        for c in range(nchunk):
            cp = pltpu.make_async_copy(
                table_hbm.at[idx_v.at[pl.ds(c * csz, csz)]],
                rows_v.at[pl.ds(c * csz, csz)], sem)
            cp.start()
            copies.append(cp)
        for cp in copies:
            cp.wait()
        pltpu.sync_copy(rows_v, out_hbm.at[pl.ds(base, bpw)])

    return k(table, idx)


def _sc_scatter_x(x128, ia, ib, nchunk):
    NW = 32
    tpw = N // NW
    csz = tpw // nchunk

    @functools.partial(
        pl.kernel,
        out_type=jax.ShapeDtypeStruct((P, HP), jnp.float32),
        mesh=plsc.VectorSubcoreMesh(core_axis_name="c", subcore_axis_name="s"),
        scratch_types=[
            pltpu.VMEM((nchunk, csz), jnp.int32),
            pltpu.VMEM((nchunk, csz), jnp.int32),
            pltpu.VMEM((tpw, HP), jnp.float32),
            pltpu.SemaphoreType.DMA,
        ],
    )
    def k(x_hbm, ia_hbm, ib_hbm, out_hbm, ia_v, ib_v, rows_v, sem):
        wid = lax.axis_index("s") * 2 + lax.axis_index("c")
        pltpu.sync_copy(x_hbm.at[pl.ds(wid * tpw, tpw)], rows_v)
        pltpu.sync_copy(ia_hbm.at[wid], ia_v)
        pltpu.sync_copy(ib_hbm.at[wid], ib_v)
        copies = []
        for c in range(nchunk):
            src = rows_v.at[pl.ds(c * csz, csz)]
            for idx_v in (ia_v, ib_v):
                cp = pltpu.make_async_copy(src, out_hbm.at[idx_v.at[c]], sem)
                cp.start()
                copies.append(cp)
        for cp in copies:
            cp.wait()

    return k(x128, ia, ib)



def _expert_body(te_ref, nt_ref, x_ref, w0_ref, w1_ref, w2_ref, w3_ref, w4_ref,
                 o_ref):
    @pl.when(pl.program_id(0) < nt_ref[0])
    def _():
        lane = lax.broadcasted_iota(jnp.int32, (T, HP), 1)
        h = jnp.sin(W0 * _dot(x_ref[...], w0_ref[0]))
        for w_ref in (w1_ref, w2_ref, w3_ref):
            h = jnp.where(lane == H, 1.0, h)
            h = jnp.sin(W0 * _dot(h, w_ref[0]))
        h = jnp.where(lane == H, 1.0, h)
        o_ref[...] = _dot(h, w4_ref[0])


def _expert_mlp(tile_e, ntot, xg, w0a, w1a, w2a, w3a, w4a):
    grid_spec = pltpu.PrefetchScalarGridSpec(
        num_scalar_prefetch=2,
        grid=(MAXT,),
        in_specs=[
            pl.BlockSpec((T, HP), lambda t, te, nt: (t, 0)),
            pl.BlockSpec((1, HP, HP), lambda t, te, nt: (te[t], 0, 0)),
            pl.BlockSpec((1, HP, HP), lambda t, te, nt: (te[t], 0, 0)),
            pl.BlockSpec((1, HP, HP), lambda t, te, nt: (te[t], 0, 0)),
            pl.BlockSpec((1, HP, HP), lambda t, te, nt: (te[t], 0, 0)),
            pl.BlockSpec((1, HP, HP), lambda t, te, nt: (te[t], 0, 0)),
        ],
        out_specs=pl.BlockSpec((T, HP), lambda t, te, nt: (t, 0)),
    )
    return pl.pallas_call(
        _expert_body,
        grid_spec=grid_spec,
        out_shape=jax.ShapeDtypeStruct((P, HP), jnp.float32),
    )(tile_e, ntot, xg, w0a, w1a, w2a, w3a, w4a)



def _decoder_body(r0_ref, r1_ref, g_ref, dw1_ref, dw2_ref, o_ref):
    g = g_ref[...]
    f = g[:, 0:1] * r0_ref[...] + g[:, 1:2] * r1_ref[...]
    lane = lax.broadcasted_iota(jnp.int32, (RB, HP), 1)
    f = jnp.where(lane == H, 1.0, f)
    d1 = jnp.maximum(_dot(f, dw1_ref[...]), 0.0)
    d1 = jnp.where(lane == H, 1.0, d1)
    o_ref[...] = _dot(d1, dw2_ref[...])[:, 0:1]


def _decoder(rows_all, gates, dw1a, dw2row):
    return pl.pallas_call(
        _decoder_body,
        grid=(NB,),
        in_specs=[
            pl.BlockSpec((RB, HP), lambda i: (i, 0)),
            pl.BlockSpec((RB, HP), lambda i: (i + NB, 0)),
            pl.BlockSpec((RB, K), lambda i: (i, 0)),
            pl.BlockSpec((HP, HP), lambda i: (0, 0)),
            pl.BlockSpec((HP, HP), lambda i: (0, 0)),
        ],
        out_specs=pl.BlockSpec((RB, 1), lambda i: (i, 0)),
        out_shape=jax.ShapeDtypeStruct((N, 1), jnp.float32),
    )(rows_all, rows_all, gates, dw1a, dw2row)



def kernel(x, context, rW1, rb1, rW2, rb2, eW0, eb0, eW1, eb1, eW2, eb2,
           eW3, eb3, eW4, eb4, dW1, db1, dW2, db2):
    f32 = jnp.float32

    rw1p = jnp.zeros((64, RHP), f32).at[:, :RH].set(rW1)
    rb1p = jnp.zeros((1, RHP), f32).at[0, :RH].set(rb1)
    rw2p = jnp.zeros((RHP, HP), f32).at[:RH, :E].set(rW2)
    rb2p = jnp.zeros((1, HP), f32).at[0, :E].set(rb2)

    w0a = jnp.zeros((E, HP, HP), f32).at[:, :3, :H].set(eW0).at[:, 3, :H].set(eb0)
    def _aug(w, b):
        return jnp.zeros((E, HP, HP), f32).at[:, :H, :H].set(w).at[:, H, :H].set(b)
    w1a, w2a, w3a, w4a = _aug(eW1, eb1), _aug(eW2, eb2), _aug(eW3, eb3), _aug(eW4, eb4)

    dw1a = jnp.zeros((HP, HP), f32).at[:H, :H].set(dW1).at[H, :H].set(db1)
    dw2a = jnp.zeros((HP, HP), f32).at[:H, 0].set(dW2[:, 0]).at[H, 0].set(db2[0])

    x128 = jnp.zeros((N, HP), f32).at[:, :3].set(x).at[:, 3].set(1.0)

    topi, gates = _router(context, rw1p, rb1p, rw2p, rb2p)

    e_flat = topi.reshape(-1)
    onehot = (e_flat[:, None] == jnp.arange(E, dtype=jnp.int32)).astype(jnp.int32)
    ranks = jnp.sum((jnp.cumsum(onehot, axis=0) - onehot) * onehot, axis=1)
    counts = jnp.sum(onehot, axis=0)
    ntiles = (counts + T - 1) // T
    tend = jnp.cumsum(ntiles)
    tbase = tend - ntiles
    ppos = tbase[e_flat] * T + ranks
    tile_e = jnp.minimum(
        jnp.sum(jnp.arange(MAXT, dtype=jnp.int32)[:, None] >= tend[None, :],
                axis=1), E - 1).astype(jnp.int32)

    pp = ppos.reshape(N, K)
    ia = pp[:, 0].reshape(32, 4, N // 32 // 4)
    ib = pp[:, 1].reshape(32, 4, N // 32 // 4)
    xg = _sc_scatter_x(x128, ia, ib, 4)

    out_pad = _expert_mlp(tile_e, tend[E - 1:E].astype(jnp.int32), xg,
                          w0a, w1a, w2a, w3a, w4a)

    idx2 = ppos.reshape(N, K).T.reshape(-1)
    rows_all = _sc_gather(out_pad, idx2, HP, 8)

    return _decoder(rows_all, gates, dw1a, dw2a)

# --- scband reference (transcript-rebuilt; emitter-appended) ---
"""Pipeline reference for scband-sparse-mo-e-8504035246115 (READ-ONLY COPY).

The authoritative reference and input builder live on the scoring server;
editing this copy changes nothing except your own understanding.
"""

import jax, jax.numpy as jnp
import numpy as np
import math

N = 8192
ROUTER_IN = 64
NUM_EXPERTS = 16
TOP_K = 2
EXPERT_IN = 3
TOTAL_PARAM = 500000
ROUTER_RATIO = 0.2
ROUTER_LAYERS = 2
EXPERT_LAYERS = 5
W0 = 30.0


def calc_mlp_features(param_count, input_size, output_size, layers):
    if output_size is False:
        a = layers - 1
        b = input_size + 1 + layers - 1
        c = -param_count
    else:
        a = layers - 2
        b = input_size + 1 + layers - 2 + output_size
        c = -param_count + output_size
    if a == 0:
        return int(round(-c / b))
    return int(round((-b + math.sqrt(b * b - 4 * a * c)) / (2 * a)))

router_param = TOTAL_PARAM * ROUTER_RATIO
expert_param = (TOTAL_PARAM - router_param) // NUM_EXPERTS
RH = calc_mlp_features(router_param, ROUTER_IN, NUM_EXPERTS, ROUTER_LAYERS)
H = calc_mlp_features(expert_param, EXPERT_IN, False, EXPERT_LAYERS)


def setup_inputs(seed: int = 0):
    key = jax.random.key(seed)
    ks = jax.random.split(key, 20)
    E = NUM_EXPERTS
    s_mid = float(np.sqrt(6.0 / H) / 30.0)
    s_first = 1.0 / EXPERT_IN
    inp = {}
    inp['x'] = jax.random.uniform(ks[0], (N, EXPERT_IN), dtype=jnp.float32)
    inp['context'] = jax.random.normal(ks[1], (N, ROUTER_IN), dtype=jnp.float32)
    inp['rW1'] = jax.random.normal(ks[2], (ROUTER_IN, RH), dtype=jnp.float32) * float(np.sqrt(2.0 / ROUTER_IN))
    inp['rb1'] = jnp.zeros((RH,), jnp.float32)
    inp['rW2'] = jax.random.normal(ks[3], (RH, NUM_EXPERTS), dtype=jnp.float32) * float(np.sqrt(2.0 / RH))
    inp['rb2'] = jnp.zeros((NUM_EXPERTS,), jnp.float32)
    inp['eW0'] = jax.random.uniform(ks[4], (E, EXPERT_IN, H), jnp.float32, -s_first, s_first)
    inp['eb0'] = jnp.zeros((E, H), jnp.float32)
    for i, k in zip(range(1, 5), ks[5:9]):
        inp['eW%d' % i] = jax.random.uniform(k, (E, H, H), jnp.float32, -s_mid, s_mid)
        inp['eb%d' % i] = jnp.zeros((E, H), jnp.float32)
    inp['dW1'] = jax.random.normal(ks[9], (H, H), dtype=jnp.float32) * float(np.sqrt(1.0 / H))
    inp['db1'] = jnp.zeros((H,), jnp.float32)
    inp['dW2'] = jax.random.normal(ks[10], (H, 1), dtype=jnp.float32) * float(np.sqrt(1.0 / H))
    inp['db2'] = jnp.zeros((1,), jnp.float32)
    return inp


def reference(x, context, rW1, rb1, rW2, rb2, eW0, eb0, eW1, eb1, eW2, eb2, eW3, eb3, eW4, eb4, dW1, db1, dW2, db2):
    # NoisyTopkRouter (eval path: no noise)
    logits = jnp.maximum(context @ rW1 + rb1, 0.0) @ rW2 + rb2
    topv, topi = jax.lax.top_k(logits, TOP_K)
    rows = jnp.arange(logits.shape[0])[:, None]
    sparse = jnp.full_like(logits, -jnp.inf).at[rows, topi].set(topv)
    gating = jax.nn.softmax(sparse, axis=-1)  # exactly 0 for non-selected experts
    # SIREN experts (batched over E); weighting by gating==0 reproduces masked dispatch
    h = jnp.sin(W0 * (jnp.einsum('nd,edh->enh', x, eW0) + eb0[:, None, :]))
    h = jnp.sin(W0 * (jnp.einsum('enh,ehk->enk', h, eW1) + eb1[:, None, :]))
    h = jnp.sin(W0 * (jnp.einsum('enh,ehk->enk', h, eW2) + eb2[:, None, :]))
    h = jnp.sin(W0 * (jnp.einsum('enh,ehk->enk', h, eW3) + eb3[:, None, :]))
    out_e = jnp.einsum('enh,ehk->enk', h, eW4) + eb4[:, None, :]
    final = jnp.einsum('enh,ne->nh', out_e, gating)
    return jnp.maximum(final @ dW1 + db1, 0.0) @ dW2 + db2

if __name__ == "__main__":
    import jax
    _d = setup_inputs()
    print(jax.jit(kernel)(*tuple(_d.values())))

</pallas_src>

<mosaic_0001>
#map = affine_map<(d0, d1) -> (0, 0)>
#map1 = affine_map<(d0, d1) -> (0)>
module attributes {stable_mosaic.version = 14 : i64} {
  func.func @k(%arg0: i32, %arg1: i32, %arg2: memref<20480x128xf32, #tpu.memory_space<hbm>>, %arg3: memref<16384xi32, #tpu.memory_space<hbm>>, %arg4: memref<16384x128xf32, #tpu.memory_space<hbm>>, %arg5: memref<512xi32, #tpu.memory_space<vmem>>, %arg6: memref<512x128xf32, #tpu.memory_space<vmem>>, %arg7: memref<!tpu.dma_semaphore, #tpu.memory_space<semaphore_mem>>) attributes {dimension_semantics = [#tpu.dimension_semantics<core_parallel>, #tpu.dimension_semantics<subcore_parallel>], iteration_bounds = array<i64: 2, 16>, scalar_prefetch = 0 : i64, scratch_operands = 3 : i64, tpu.core_type = #tpu.core_type<sc_vector_subcore>, window_params = [{transform_indices = #map}, {transform_indices = #map1}, {transform_indices = #map}]} {
    %mul3A = arith.constant 2 : i32
    %mul3A_0 = arith.muli %arg1, %mul3A : i32
    %add3A = arith.addi %mul3A_0, %arg0 : i32
    %mul3A_1 = arith.constant 512 : i32
    %mul3A_2 = arith.muli %add3A, %mul3A_1 : i32
    "tpu.region"() ({
      %run_scoped3A = tpu.sem_alloc : memref<!tpu.dma_semaphore, #tpu.memory_space<semaphore_mem>>
      %dma_start3A_129 = tpu.memref_slice %arg3[%mul3A_2] : memref<16384xi32, #tpu.memory_space<hbm>> -> memref<512xi32, #tpu.memory_space<hbm>>
      %dma_start3A_130 = tpu.memref_slice %arg3[%mul3A_2] : memref<16384xi32, #tpu.memory_space<hbm>> -> memref<512xi32, #tpu.memory_space<hbm>>
      tpu.enqueue_dma source(%dma_start3A_130 : memref<512xi32, #tpu.memory_space<hbm>>) target(%arg5 : memref<512xi32, #tpu.memory_space<vmem>>) target_semaphore(%run_scoped3A : memref<!tpu.dma_semaphore, #tpu.memory_space<semaphore_mem>>)
      %dma_wait3A_131 = tpu.memref_slice %arg3[%mul3A_2] : memref<16384xi32, #tpu.memory_space<hbm>> -> memref<512xi32, #tpu.memory_space<hbm>>
      %dma_wait3A_132 = tpu.memref_slice %arg3[%mul3A_2] : memref<16384xi32, #tpu.memory_space<hbm>> -> memref<512xi32, #tpu.memory_space<hbm>>
      tpu.wait_dma2 semaphore(%run_scoped3A : memref<!tpu.dma_semaphore, #tpu.memory_space<semaphore_mem>>) src(%dma_wait3A_132 : memref<512xi32, #tpu.memory_space<hbm>>) dst(%arg5 : memref<512xi32, #tpu.memory_space<vmem>>)
      tpu.yield
    }) : () -> ()
    %dma_start3A = arith.constant 0 : i32
    %dma_start3A_3 = arith.constant 0 : i32
    %dma_start3A_4 = tpu.memref_slice %arg6[%dma_start3A, %dma_start3A_3] : memref<512x128xf32, #tpu.memory_space<vmem>> -> memref<64x128xf32, #tpu.memory_space<vmem>>
    %dma_start3A_5 = arith.constant 0 : i32
    %dma_start3A_6 = tpu.memref_slice %arg5[%dma_start3A_5] : memref<512xi32, #tpu.memory_space<vmem>> -> memref<64xi32, #tpu.memory_space<vmem>>
    %dma_start3A_7 = arith.constant 0 : i32
    %dma_start3A_8 = arith.constant 0 : i32
    %dma_start3A_9 = tpu.memref_slice %arg2[%dma_start3A_7, %dma_start3A_8] : memref<20480x128xf32, #tpu.memory_space<hbm>> -> memref<20480x128xf32, #tpu.memory_space<hbm>>
    tpu.enqueue_indirect_dma source(%dma_start3A_9 : memref<20480x128xf32, #tpu.memory_space<hbm>>) target(%dma_start3A_4 : memref<64x128xf32, #tpu.memory_space<vmem>>) offsets(%dma_start3A_6 : memref<64xi32, #tpu.memory_space<vmem>>) semaphore(%arg7 : memref<!tpu.dma_semaphore, #tpu.memory_space<semaphore_mem>>)
    %dma_start3A_10 = arith.constant 64 : i32
    %dma_start3A_11 = arith.constant 0 : i32
    %dma_start3A_12 = tpu.memref_slice %arg6[%dma_start3A_10, %dma_start3A_11] : memref<512x128xf32, #tpu.memory_space<vmem>> -> memref<64x128xf32, #tpu.memory_space<vmem>>
    %dma_start3A_13 = arith.constant 64 : i32
    %dma_start3A_14 = tpu.memref_slice %arg5[%dma_start3A_13] : memref<512xi32, #tpu.memory_space<vmem>> -> memref<64xi32, #tpu.memory_space<vmem>>
    %dma_start3A_15 = arith.constant 0 : i32
    %dma_start3A_16 = arith.constant 0 : i32
    %dma_start3A_17 = tpu.memref_slice %arg2[%dma_start3A_15, %dma_start3A_16] : memref<20480x128xf32, #tpu.memory_space<hbm>> -> memref<20480x128xf32, #tpu.memory_space<hbm>>
    tpu.enqueue_indirect_dma source(%dma_start3A_17 : memref<20480x128xf32, #tpu.memory_space<hbm>>) target(%dma_start3A_12 : memref<64x128xf32, #tpu.memory_space<vmem>>) offsets(%dma_start3A_14 : memref<64xi32, #tpu.memory_space<vmem>>) semaphore(%arg7 : memref<!tpu.dma_semaphore, #tpu.memory_space<semaphore_mem>>)
    %dma_start3A_18 = arith.constant 128 : i32
    %dma_start3A_19 = arith.constant 0 : i32
    %dma_start3A_20 = tpu.memref_slice %arg6[%dma_start3A_18, %dma_start3A_19] : memref<512x128xf32, #tpu.memory_space<vmem>> -> memref<64x128xf32, #tpu.memory_space<vmem>>
    %dma_start3A_21 = arith.constant 128 : i32
    %dma_start3A_22 = tpu.memref_slice %arg5[%dma_start3A_21] : memref<512xi32, #tpu.memory_space<vmem>> -> memref<64xi32, #tpu.memory_space<vmem>>
    %dma_start3A_23 = arith.constant 0 : i32
    %dma_start3A_24 = arith.constant 0 : i32
    %dma_start3A_25 = tpu.memref_slice %arg2[%dma_start3A_23, %dma_start3A_24] : memref<20480x128xf32, #tpu.memory_space<hbm>> -> memref<20480x128xf32, #tpu.memory_space<hbm>>
    tpu.enqueue_indirect_dma source(%dma_start3A_25 : memref<20480x128xf32, #tpu.memory_space<hbm>>) target(%dma_start3A_20 : memref<64x128xf32, #tpu.memory_space<vmem>>) offsets(%dma_start3A_22 : memref<64xi32, #tpu.memory_space<vmem>>) semaphore(%arg7 : memref<!tpu.dma_semaphore, #tpu.memory_space<semaphore_mem>>)
    %dma_start3A_26 = arith.constant 192 : i32
    %dma_start3A_27 = arith.constant 0 : i32
    %dma_start3A_28 = tpu.memref_slice %arg6[%dma_start3A_26, %dma_start3A_27] : memref<512x128xf32, #tpu.memory_space<vmem>> -> memref<64x128xf32, #tpu.memory_space<vmem>>
    %dma_start3A_29 = arith.constant 192 : i32
    %dma_start3A_30 = tpu.memref_slice %arg5[%dma_start3A_29] : memref<512xi32, #tpu.memory_space<vmem>> -> memref<64xi32, #tpu.memory_space<vmem>>
    %dma_start3A_31 = arith.constant 0 : i32
    %dma_start3A_32 = arith.constant 0 : i32
    %dma_start3A_33 = tpu.memref_slice %arg2[%dma_start3A_31, %dma_start3A_32] : memref<20480x128xf32, #tpu.memory_space<hbm>> -> memref<20480x128xf32, #tpu.memory_space<hbm>>
    tpu.enqueue_indirect_dma source(%dma_start3A_33 : memref<20480x128xf32, #tpu.memory_space<hbm>>) target(%dma_start3A_28 : memref<64x128xf32, #tpu.memory_space<vmem>>) offsets(%dma_start3A_30 : memref<64xi32, #tpu.memory_space<vmem>>) semaphore(%arg7 : memref<!tpu.dma_semaphore, #tpu.memory_space<semaphore_mem>>)
    %dma_start3A_34 = arith.constant 256 : i32
    %dma_start3A_35 = arith.constant 0 : i32
    %dma_start3A_36 = tpu.memref_slice %arg6[%dma_start3A_34, %dma_start3A_35] : memref<512x128xf32, #tpu.memory_space<vmem>> -> memref<64x128xf32, #tpu.memory_space<vmem>>
    %dma_start3A_37 = arith.constant 256 : i32
    %dma_start3A_38 = tpu.memref_slice %arg5[%dma_start3A_37] : memref<512xi32, #tpu.memory_space<vmem>> -> memref<64xi32, #tpu.memory_space<vmem>>
    %dma_start3A_39 = arith.constant 0 : i32
    %dma_start3A_40 = arith.constant 0 : i32
    %dma_start3A_41 = tpu.memref_slice %arg2[%dma_start3A_39, %dma_start3A_40] : memref<20480x128xf32, #tpu.memory_space<hbm>> -> memref<20480x128xf32, #tpu.memory_space<hbm>>
    tpu.enqueue_indirect_dma source(%dma_start3A_41 : memref<20480x128xf32, #tpu.memory_space<hbm>>) target(%dma_start3A_36 : memref<64x128xf32, #tpu.memory_space<vmem>>) offsets(%dma_start3A_38 : memref<64xi32, #tpu.memory_space<vmem>>) semaphore(%arg7 : memref<!tpu.dma_semaphore, #tpu.memory_space<semaphore_mem>>)
    %dma_start3A_42 = arith.constant 320 : i32
    %dma_start3A_43 = arith.constant 0 : i32
    %dma_start3A_44 = tpu.memref_slice %arg6[%dma_start3A_42, %dma_start3A_43] : memref<512x128xf32, #tpu.memory_space<vmem>> -> memref<64x128xf32, #tpu.memory_space<vmem>>
    %dma_start3A_45 = arith.constant 320 : i32
    %dma_start3A_46 = tpu.memref_slice %arg5[%dma_start3A_45] : memref<512xi32, #tpu.memory_space<vmem>> -> memref<64xi32, #tpu.memory_space<vmem>>
    %dma_start3A_47 = arith.constant 0 : i32
    %dma_start3A_48 = arith.constant 0 : i32
    %dma_start3A_49 = tpu.memref_slice %arg2[%dma_start3A_47, %dma_start3A_48] : memref<20480x128xf32, #tpu.memory_space<hbm>> -> memref<20480x128xf32, #tpu.memory_space<hbm>>
    tpu.enqueue_indirect_dma source(%dma_start3A_49 : memref<20480x128xf32, #tpu.memory_space<hbm>>) target(%dma_start3A_44 : memref<64x128xf32, #tpu.memory_space<vmem>>) offsets(%dma_start3A_46 : memref<64xi32, #tpu.memory_space<vmem>>) semaphore(%arg7 : memref<!tpu.dma_semaphore, #tpu.memory_space<semaphore_mem>>)
    %dma_start3A_50 = arith.constant 384 : i32
    %dma_start3A_51 = arith.constant 0 : i32
    %dma_start3A_52 = tpu.memref_slice %arg6[%dma_start3A_50, %dma_start3A_51] : memref<512x128xf32, #tpu.memory_space<vmem>> -> memref<64x128xf32, #tpu.memory_space<vmem>>
    %dma_start3A_53 = arith.constant 384 : i32
    %dma_start3A_54 = tpu.memref_slice %arg5[%dma_start3A_53] : memref<512xi32, #tpu.memory_space<vmem>> -> memref<64xi32, #tpu.memory_space<vmem>>
    %dma_start3A_55 = arith.constant 0 : i32
    %dma_start3A_56 = arith.constant 0 : i32
    %dma_start3A_57 = tpu.memref_slice %arg2[%dma_start3A_55, %dma_start3A_56] : memref<20480x128xf32, #tpu.memory_space<hbm>> -> memref<20480x128xf32, #tpu.memory_space<hbm>>
    tpu.enqueue_indirect_dma source(%dma_start3A_57 : memref<20480x128xf32, #tpu.memory_space<hbm>>) target(%dma_start3A_52 : memref<64x128xf32, #tpu.memory_space<vmem>>) offsets(%dma_start3A_54 : memref<64xi32, #tpu.memory_space<vmem>>) semaphore(%arg7 : memref<!tpu.dma_semaphore, #tpu.memory_space<semaphore_mem>>)
    %dma_start3A_58 = arith.constant 448 : i32
    %dma_start3A_59 = arith.constant 0 : i32
    %dma_start3A_60 = tpu.memref_slice %arg6[%dma_start3A_58, %dma_start3A_59] : memref<512x128xf32, #tpu.memory_space<vmem>> -> memref<64x128xf32, #tpu.memory_space<vmem>>
    %dma_start3A_61 = arith.constant 448 : i32
    %dma_start3A_62 = tpu.memref_slice %arg5[%dma_start3A_61] : memref<512xi32, #tpu.memory_space<vmem>> -> memref<64xi32, #tpu.memory_space<vmem>>
    %dma_start3A_63 = arith.constant 0 : i32
    %dma_start3A_64 = arith.constant 0 : i32
    %dma_start3A_65 = tpu.memref_slice %arg2[%dma_start3A_63, %dma_start3A_64] : memref<20480x128xf32, #tpu.memory_space<hbm>> -> memref<20480x128xf32, #tpu.memory_space<hbm>>
    tpu.enqueue_indirect_dma source(%dma_start3A_65 : memref<20480x128xf32, #tpu.memory_space<hbm>>) target(%dma_start3A_60 : memref<64x128xf32, #tpu.memory_space<vmem>>) offsets(%dma_start3A_62 : memref<64xi32, #tpu.memory_space<vmem>>) semaphore(%arg7 : memref<!tpu.dma_semaphore, #tpu.memory_space<semaphore_mem>>)
    %dma_wait3A = arith.constant 0 : i32
    %dma_wait3A_66 = arith.constant 0 : i32
    %dma_wait3A_67 = tpu.memref_slice %arg6[%dma_wait3A, %dma_wait3A_66] : memref<512x128xf32, #tpu.memory_space<vmem>> -> memref<64x128xf32, #tpu.memory_space<vmem>>
    %dma_wait3A_68 = arith.constant 0 : i32
    %dma_wait3A_69 = tpu.memref_slice %arg5[%dma_wait3A_68] : memref<512xi32, #tpu.memory_space<vmem>> -> memref<64xi32, #tpu.memory_space<vmem>>
    %dma_wait3A_70 = arith.constant 0 : i32
    %dma_wait3A_71 = arith.constant 0 : i32
    %dma_wait3A_72 = tpu.memref_slice %arg2[%dma_wait3A_70, %dma_wait3A_71] : memref<20480x128xf32, #tpu.memory_space<hbm>> -> memref<20480x128xf32, #tpu.memory_space<hbm>>
    tpu.wait_indirect_dma semaphore(%arg7 : memref<!tpu.dma_semaphore, #tpu.memory_space<semaphore_mem>>) src(%dma_wait3A_72 : memref<20480x128xf32, #tpu.memory_space<hbm>>) dst(%dma_wait3A_67 : memref<64x128xf32, #tpu.memory_space<vmem>>)
    %dma_wait3A_73 = arith.constant 64 : i32
    %dma_wait3A_74 = arith.constant 0 : i32
    %dma_wait3A_75 = tpu.memref_slice %arg6[%dma_wait3A_73, %dma_wait3A_74] : memref<512x128xf32, #tpu.memory_space<vmem>> -> memref<64x128xf32, #tpu.memory_space<vmem>>
    %dma_wait3A_76 = arith.constant 64 : i32
    %dma_wait3A_77 = tpu.memref_slice %arg5[%dma_wait3A_76] : memref<512xi32, #tpu.memory_space<vmem>> -> memref<64xi32, #tpu.memory_space<vmem>>
    %dma_wait3A_78 = arith.constant 0 : i32
    %dma_wait3A_79 = arith.constant 0 : i32
    %dma_wait3A_80 = tpu.memref_slice %arg2[%dma_wait3A_78, %dma_wait3A_79] : memref<20480x128xf32, #tpu.memory_space<hbm>> -> memref<20480x128xf32, #tpu.memory_space<hbm>>
    tpu.wait_indirect_dma semaphore(%arg7 : memref<!tpu.dma_semaphore, #tpu.memory_space<semaphore_mem>>) src(%dma_wait3A_80 : memref<20480x128xf32, #tpu.memory_space<hbm>>) dst(%dma_wait3A_75 : memref<64x128xf32, #tpu.memory_space<vmem>>)
    %dma_wait3A_81 = arith.constant 128 : i32
    %dma_wait3A_82 = arith.constant 0 : i32
    %dma_wait3A_83 = tpu.memref_slice %arg6[%dma_wait3A_81, %dma_wait3A_82] : memref<512x128xf32, #tpu.memory_space<vmem>> -> memref<64x128xf32, #tpu.memory_space<vmem>>
    %dma_wait3A_84 = arith.constant 128 : i32
    %dma_wait3A_85 = tpu.memref_slice %arg5[%dma_wait3A_84] : memref<512xi32, #tpu.memory_space<vmem>> -> memref<64xi32, #tpu.memory_space<vmem>>
    %dma_wait3A_86 = arith.constant 0 : i32
    %dma_wait3A_87 = arith.constant 0 : i32
    %dma_wait3A_88 = tpu.memref_slice %arg2[%dma_wait3A_86, %dma_wait3A_87] : memref<20480x128xf32, #tpu.memory_space<hbm>> -> memref<20480x128xf32, #tpu.memory_space<hbm>>
    tpu.wait_indirect_dma semaphore(%arg7 : memref<!tpu.dma_semaphore, #tpu.memory_space<semaphore_mem>>) src(%dma_wait3A_88 : memref<20480x128xf32, #tpu.memory_space<hbm>>) dst(%dma_wait3A_83 : memref<64x128xf32, #tpu.memory_space<vmem>>)
    %dma_wait3A_89 = arith.constant 192 : i32
    %dma_wait3A_90 = arith.constant 0 : i32
    %dma_wait3A_91 = tpu.memref_slice %arg6[%dma_wait3A_89, %dma_wait3A_90] : memref<512x128xf32, #tpu.memory_space<vmem>> -> memref<64x128xf32, #tpu.memory_space<vmem>>
    %dma_wait3A_92 = arith.constant 192 : i32
    %dma_wait3A_93 = tpu.memref_slice %arg5[%dma_wait3A_92] : memref<512xi32, #tpu.memory_space<vmem>> -> memref<64xi32, #tpu.memory_space<vmem>>
    %dma_wait3A_94 = arith.constant 0 : i32
    %dma_wait3A_95 = arith.constant 0 : i32
    %dma_wait3A_96 = tpu.memref_slice %arg2[%dma_wait3A_94, %dma_wait3A_95] : memref<20480x128xf32, #tpu.memory_space<hbm>> -> memref<20480x128xf32, #tpu.memory_space<hbm>>
    tpu.wait_indirect_dma semaphore(%arg7 : memref<!tpu.dma_semaphore, #tpu.memory_space<semaphore_mem>>) src(%dma_wait3A_96 : memref<20480x128xf32, #tpu.memory_space<hbm>>) dst(%dma_wait3A_91 : memref<64x128xf32, #tpu.memory_space<vmem>>)
    %dma_wait3A_97 = arith.constant 256 : i32
    %dma_wait3A_98 = arith.constant 0 : i32
    %dma_wait3A_99 = tpu.memref_slice %arg6[%dma_wait3A_97, %dma_wait3A_98] : memref<512x128xf32, #tpu.memory_space<vmem>> -> memref<64x128xf32, #tpu.memory_space<vmem>>
    %dma_wait3A_100 = arith.constant 256 : i32
    %dma_wait3A_101 = tpu.memref_slice %arg5[%dma_wait3A_100] : memref<512xi32, #tpu.memory_space<vmem>> -> memref<64xi32, #tpu.memory_space<vmem>>
    %dma_wait3A_102 = arith.constant 0 : i32
    %dma_wait3A_103 = arith.constant 0 : i32
    %dma_wait3A_104 = tpu.memref_slice %arg2[%dma_wait3A_102, %dma_wait3A_103] : memref<20480x128xf32, #tpu.memory_space<hbm>> -> memref<20480x128xf32, #tpu.memory_space<hbm>>
    tpu.wait_indirect_dma semaphore(%arg7 : memref<!tpu.dma_semaphore, #tpu.memory_space<semaphore_mem>>) src(%dma_wait3A_104 : memref<20480x128xf32, #tpu.memory_space<hbm>>) dst(%dma_wait3A_99 : memref<64x128xf32, #tpu.memory_space<vmem>>)
    %dma_wait3A_105 = arith.constant 320 : i32
    %dma_wait3A_106 = arith.constant 0 : i32
    %dma_wait3A_107 = tpu.memref_slice %arg6[%dma_wait3A_105, %dma_wait3A_106] : memref<512x128xf32, #tpu.memory_space<vmem>> -> memref<64x128xf32, #tpu.memory_space<vmem>>
    %dma_wait3A_108 = arith.constant 320 : i32
    %dma_wait3A_109 = tpu.memref_slice %arg5[%dma_wait3A_108] : memref<512xi32, #tpu.memory_space<vmem>> -> memref<64xi32, #tpu.memory_space<vmem>>
    %dma_wait3A_110 = arith.constant 0 : i32
    %dma_wait3A_111 = arith.constant 0 : i32
    %dma_wait3A_112 = tpu.memref_slice %arg2[%dma_wait3A_110, %dma_wait3A_111] : memref<20480x128xf32, #tpu.memory_space<hbm>> -> memref<20480x128xf32, #tpu.memory_space<hbm>>
    tpu.wait_indirect_dma semaphore(%arg7 : memref<!tpu.dma_semaphore, #tpu.memory_space<semaphore_mem>>) src(%dma_wait3A_112 : memref<20480x128xf32, #tpu.memory_space<hbm>>) dst(%dma_wait3A_107 : memref<64x128xf32, #tpu.memory_space<vmem>>)
    %dma_wait3A_113 = arith.constant 384 : i32
    %dma_wait3A_114 = arith.constant 0 : i32
    %dma_wait3A_115 = tpu.memref_slice %arg6[%dma_wait3A_113, %dma_wait3A_114] : memref<512x128xf32, #tpu.memory_space<vmem>> -> memref<64x128xf32, #tpu.memory_space<vmem>>
    %dma_wait3A_116 = arith.constant 384 : i32
    %dma_wait3A_117 = tpu.memref_slice %arg5[%dma_wait3A_116] : memref<512xi32, #tpu.memory_space<vmem>> -> memref<64xi32, #tpu.memory_space<vmem>>
    %dma_wait3A_118 = arith.constant 0 : i32
    %dma_wait3A_119 = arith.constant 0 : i32
    %dma_wait3A_120 = tpu.memref_slice %arg2[%dma_wait3A_118, %dma_wait3A_119] : memref<20480x128xf32, #tpu.memory_space<hbm>> -> memref<20480x128xf32, #tpu.memory_space<hbm>>
    tpu.wait_indirect_dma semaphore(%arg7 : memref<!tpu.dma_semaphore, #tpu.memory_space<semaphore_mem>>) src(%dma_wait3A_120 : memref<20480x128xf32, #tpu.memory_space<hbm>>) dst(%dma_wait3A_115 : memref<64x128xf32, #tpu.memory_space<vmem>>)
    %dma_wait3A_121 = arith.constant 448 : i32
    %dma_wait3A_122 = arith.constant 0 : i32
    %dma_wait3A_123 = tpu.memref_slice %arg6[%dma_wait3A_121, %dma_wait3A_122] : memref<512x128xf32, #tpu.memory_space<vmem>> -> memref<64x128xf32, #tpu.memory_space<vmem>>
    %dma_wait3A_124 = arith.constant 448 : i32
    %dma_wait3A_125 = tpu.memref_slice %arg5[%dma_wait3A_124] : memref<512xi32, #tpu.memory_space<vmem>> -> memref<64xi32, #tpu.memory_space<vmem>>
    %dma_wait3A_126 = arith.constant 0 : i32
    %dma_wait3A_127 = arith.constant 0 : i32
    %dma_wait3A_128 = tpu.memref_slice %arg2[%dma_wait3A_126, %dma_wait3A_127] : memref<20480x128xf32, #tpu.memory_space<hbm>> -> memref<20480x128xf32, #tpu.memory_space<hbm>>
    tpu.wait_indirect_dma semaphore(%arg7 : memref<!tpu.dma_semaphore, #tpu.memory_space<semaphore_mem>>) src(%dma_wait3A_128 : memref<20480x128xf32, #tpu.memory_space<hbm>>) dst(%dma_wait3A_123 : memref<64x128xf32, #tpu.memory_space<vmem>>)
    "tpu.region"() ({
      %run_scoped3A = tpu.sem_alloc : memref<!tpu.dma_semaphore, #tpu.memory_space<semaphore_mem>>
      %dma_start3A_129 = arith.constant 0 : i32
      %dma_start3A_130 = tpu.memref_slice %arg4[%mul3A_2, %dma_start3A_129] : memref<16384x128xf32, #tpu.memory_space<hbm>> -> memref<512x128xf32, #tpu.memory_space<hbm>>
      %dma_start3A_131 = arith.constant 0 : i32
      %dma_start3A_132 = tpu.memref_slice %arg4[%mul3A_2, %dma_start3A_131] : memref<16384x128xf32, #tpu.memory_space<hbm>> -> memref<512x128xf32, #tpu.memory_space<hbm>>
      tpu.enqueue_dma source(%arg6 : memref<512x128xf32, #tpu.memory_space<vmem>>) target(%dma_start3A_132 : memref<512x128xf32, #tpu.memory_space<hbm>>) target_semaphore(%run_scoped3A : memref<!tpu.dma_semaphore, #tpu.memory_space<semaphore_mem>>)
      %dma_wait3A_133 = arith.constant 0 : i32
      %dma_wait3A_134 = tpu.memref_slice %arg4[%mul3A_2, %dma_wait3A_133] : memref<16384x128xf32, #tpu.memory_space<hbm>> -> memref<512x128xf32, #tpu.memory_space<hbm>>
      %dma_wait3A_135 = arith.constant 0 : i32
      %dma_wait3A_136 = tpu.memref_slice %arg4[%mul3A_2, %dma_wait3A_135] : memref<16384x128xf32, #tpu.memory_space<hbm>> -> memref<512x128xf32, #tpu.memory_space<hbm>>
      tpu.wait_dma2 semaphore(%run_scoped3A : memref<!tpu.dma_semaphore, #tpu.memory_space<semaphore_mem>>) src(%arg6 : memref<512x128xf32, #tpu.memory_space<vmem>>) dst(%dma_wait3A_136 : memref<512x128xf32, #tpu.memory_space<hbm>>)
      tpu.yield
    }) : () -> ()
    return
  }
}

#map = affine_map<(d0, d1) -> (0, 0)>
#map1 = affine_map<(d0, d1) -> (0, 0, 0)>
module attributes {stable_mosaic.version = 14 : i64} {
  func.func @k(%arg0: i32, %arg1: i32, %arg2: memref<8192x128xf32, #tpu.memory_space<hbm>>, %arg3: memref<32x4x64xi32, #tpu.memory_space<hbm>>, %arg4: memref<32x4x64xi32, #tpu.memory_space<hbm>>, %arg5: memref<20480x128xf32, #tpu.memory_space<hbm>>, %arg6: memref<4x64xi32, #tpu.memory_space<vmem>>, %arg7: memref<4x64xi32, #tpu.memory_space<vmem>>, %arg8: memref<256x128xf32, #tpu.memory_space<vmem>>, %arg9: memref<!tpu.dma_semaphore, #tpu.memory_space<semaphore_mem>>) attributes {dimension_semantics = [#tpu.dimension_semantics<core_parallel>, #tpu.dimension_semantics<subcore_parallel>], iteration_bounds = array<i64: 2, 16>, scalar_prefetch = 0 : i64, scratch_operands = 4 : i64, tpu.core_type = #tpu.core_type<sc_vector_subcore>, window_params = [{transform_indices = #map}, {transform_indices = #map1}, {transform_indices = #map1}, {transform_indices = #map}]} {
    %mul3A = arith.constant 2 : i32
    %mul3A_0 = arith.muli %arg1, %mul3A : i32
    %add3A = arith.addi %mul3A_0, %arg0 : i32
    %mul3A_1 = arith.constant 256 : i32
    %mul3A_2 = arith.muli %add3A, %mul3A_1 : i32
    "tpu.region"() ({
      %run_scoped3A = tpu.sem_alloc : memref<!tpu.dma_semaphore, #tpu.memory_space<semaphore_mem>>
      %dma_start3A_161 = arith.constant 0 : i32
      %dma_start3A_162 = tpu.memref_slice %arg2[%mul3A_2, %dma_start3A_161] : memref<8192x128xf32, #tpu.memory_space<hbm>> -> memref<256x128xf32, #tpu.memory_space<hbm>>
      %dma_start3A_163 = arith.constant 0 : i32
      %dma_start3A_164 = tpu.memref_slice %arg2[%mul3A_2, %dma_start3A_163] : memref<8192x128xf32, #tpu.memory_space<hbm>> -> memref<256x128xf32, #tpu.memory_space<hbm>>
      tpu.enqueue_dma source(%dma_start3A_164 : memref<256x128xf32, #tpu.memory_space<hbm>>) target(%arg8 : memref<256x128xf32, #tpu.memory_space<vmem>>) target_semaphore(%run_scoped3A : memref<!tpu.dma_semaphore, #tpu.memory_space<semaphore_mem>>)
      %dma_wait3A_165 = arith.constant 0 : i32
      %dma_wait3A_166 = tpu.memref_slice %arg2[%mul3A_2, %dma_wait3A_165] : memref<8192x128xf32, #tpu.memory_space<hbm>> -> memref<256x128xf32, #tpu.memory_space<hbm>>
      %dma_wait3A_167 = arith.constant 0 : i32
      %dma_wait3A_168 = tpu.memref_slice %arg2[%mul3A_2, %dma_wait3A_167] : memref<8192x128xf32, #tpu.memory_space<hbm>> -> memref<256x128xf32, #tpu.memory_space<hbm>>
      tpu.wait_dma2 semaphore(%run_scoped3A : memref<!tpu.dma_semaphore, #tpu.memory_space<semaphore_mem>>) src(%dma_wait3A_168 : memref<256x128xf32, #tpu.memory_space<hbm>>) dst(%arg8 : memref<256x128xf32, #tpu.memory_space<vmem>>)
      tpu.yield
    }) : () -> ()
    "tpu.region"() ({
      %run_scoped3A = tpu.sem_alloc : memref<!tpu.dma_semaphore, #tpu.memory_space<semaphore_mem>>
      %dma_start3A_161 = arith.constant 0 : i32
      %dma_start3A_162 = arith.constant 0 : i32
      %dma_start3A_163 = tpu.memref_slice %arg3[%add3A, %dma_start3A_161, %dma_start3A_162] : memref<32x4x64xi32, #tpu.memory_space<hbm>> -> memref<1x4x64xi32, #tpu.memory_space<hbm>>
      %dma_start3A_164 = tpu.memref_squeeze %dma_start3A_163 : memref<1x4x64xi32, #tpu.memory_space<hbm>> -> memref<4x64xi32, #tpu.memory_space<hbm>>
      %dma_start3A_165 = arith.constant 0 : i32
      %dma_start3A_166 = arith.constant 0 : i32
      %dma_start3A_167 = tpu.memref_slice %arg3[%add3A, %dma_start3A_165, %dma_start3A_166] : memref<32x4x64xi32, #tpu.memory_space<hbm>> -> memref<1x4x64xi32, #tpu.memory_space<hbm>>
      %dma_start3A_168 = tpu.memref_squeeze %dma_start3A_167 : memref<1x4x64xi32, #tpu.memory_space<hbm>> -> memref<4x64xi32, #tpu.memory_space<hbm>>
      tpu.enqueue_dma source(%dma_start3A_168 : memref<4x64xi32, #tpu.memory_space<hbm>>) target(%arg6 : memref<4x64xi32, #tpu.memory_space<vmem>>) target_semaphore(%run_scoped3A : memref<!tpu.dma_semaphore, #tpu.memory_space<semaphore_mem>>)
      %dma_wait3A_169 = arith.constant 0 : i32
      %dma_wait3A_170 = arith.constant 0 : i32
      %dma_wait3A_171 = tpu.memref_slice %arg3[%add3A, %dma_wait3A_169, %dma_wait3A_170] : memref<32x4x64xi32, #tpu.memory_space<hbm>> -> memref<1x4x64xi32, #tpu.memory_space<hbm>>
      %dma_wait3A_172 = tpu.memref_squeeze %dma_wait3A_171 : memref<1x4x64xi32, #tpu.memory_space<hbm>> -> memref<4x64xi32, #tpu.memory_space<hbm>>
      %dma_wait3A_173 = arith.constant 0 : i32
      %dma_wait3A_174 = arith.constant 0 : i32
      %dma_wait3A_175 = tpu.memref_slice %arg3[%add3A, %dma_wait3A_173, %dma_wait3A_174] : memref<32x4x64xi32, #tpu.memory_space<hbm>> -> memref<1x4x64xi32, #tpu.memory_space<hbm>>
      %dma_wait3A_176 = tpu.memref_squeeze %dma_wait3A_175 : memref<1x4x64xi32, #tpu.memory_space<hbm>> -> memref<4x64xi32, #tpu.memory_space<hbm>>
      tpu.wait_dma2 semaphore(%run_scoped3A : memref<!tpu.dma_semaphore, #tpu.memory_space<semaphore_mem>>) src(%dma_wait3A_176 : memref<4x64xi32, #tpu.memory_space<hbm>>) dst(%arg6 : memref<4x64xi32, #tpu.memory_space<vmem>>)
      tpu.yield
    }) : () -> ()
    "tpu.region"() ({
      %run_scoped3A = tpu.sem_alloc : memref<!tpu.dma_semaphore, #tpu.memory_space<semaphore_mem>>
      %dma_start3A_161 = arith.constant 0 : i32
      %dma_start3A_162 = arith.constant 0 : i32
      %dma_start3A_163 = tpu.memref_slice %arg4[%add3A, %dma_start3A_161, %dma_start3A_162] : memref<32x4x64xi32, #tpu.memory_space<hbm>> -> memref<1x4x64xi32, #tpu.memory_space<hbm>>
      %dma_start3A_164 = tpu.memref_squeeze %dma_start3A_163 : memref<1x4x64xi32, #tpu.memory_space<hbm>> -> memref<4x64xi32, #tpu.memory_space<hbm>>
      %dma_start3A_165 = arith.constant 0 : i32
      %dma_start3A_166 = arith.constant 0 : i32
      %dma_start3A_167 = tpu.memref_slice %arg4[%add3A, %dma_start3A_165, %dma_start3A_166] : memref<32x4x64xi32, #tpu.memory_space<hbm>> -> memref<1x4x64xi32, #tpu.memory_space<hbm>>
      %dma_start3A_168 = tpu.memref_squeeze %dma_start3A_167 : memref<1x4x64xi32, #tpu.memory_space<hbm>> -> memref<4x64xi32, #tpu.memory_space<hbm>>
      tpu.enqueue_dma source(%dma_start3A_168 : memref<4x64xi32, #tpu.memory_space<hbm>>) target(%arg7 : memref<4x64xi32, #tpu.memory_space<vmem>>) target_semaphore(%run_scoped3A : memref<!tpu.dma_semaphore, #tpu.memory_space<semaphore_mem>>)
      %dma_wait3A_169 = arith.constant 0 : i32
      %dma_wait3A_170 = arith.constant 0 : i32
      %dma_wait3A_171 = tpu.memref_slice %arg4[%add3A, %dma_wait3A_169, %dma_wait3A_170] : memref<32x4x64xi32, #tpu.memory_space<hbm>> -> memref<1x4x64xi32, #tpu.memory_space<hbm>>
      %dma_wait3A_172 = tpu.memref_squeeze %dma_wait3A_171 : memref<1x4x64xi32, #tpu.memory_space<hbm>> -> memref<4x64xi32, #tpu.memory_space<hbm>>
      %dma_wait3A_173 = arith.constant 0 : i32
      %dma_wait3A_174 = arith.constant 0 : i32
      %dma_wait3A_175 = tpu.memref_slice %arg4[%add3A, %dma_wait3A_173, %dma_wait3A_174] : memref<32x4x64xi32, #tpu.memory_space<hbm>> -> memref<1x4x64xi32, #tpu.memory_space<hbm>>
      %dma_wait3A_176 = tpu.memref_squeeze %dma_wait3A_175 : memref<1x4x64xi32, #tpu.memory_space<hbm>> -> memref<4x64xi32, #tpu.memory_space<hbm>>
      tpu.wait_dma2 semaphore(%run_scoped3A : memref<!tpu.dma_semaphore, #tpu.memory_space<semaphore_mem>>) src(%dma_wait3A_176 : memref<4x64xi32, #tpu.memory_space<hbm>>) dst(%arg7 : memref<4x64xi32, #tpu.memory_space<vmem>>)
      tpu.yield
    }) : () -> ()
    %dma_start3A = arith.constant 0 : i32
    %dma_start3A_3 = arith.constant 0 : i32
    %dma_start3A_4 = arith.constant 0 : i32
    %dma_start3A_5 = tpu.memref_slice %arg8[%dma_start3A_3, %dma_start3A_4] : memref<256x128xf32, #tpu.memory_space<vmem>> -> memref<64x128xf32, #tpu.memory_space<vmem>>
    %dma_start3A_6 = arith.constant 0 : i32
    %dma_start3A_7 = tpu.memref_slice %arg6[%dma_start3A, %dma_start3A_6] : memref<4x64xi32, #tpu.memory_space<vmem>> -> memref<1x64xi32, #tpu.memory_space<vmem>>
    %dma_start3A_8 = tpu.memref_squeeze %dma_start3A_7 : memref<1x64xi32, #tpu.memory_space<vmem>> -> memref<64xi32, #tpu.memory_space<vmem>>
    %dma_start3A_9 = arith.constant 0 : i32
    %dma_start3A_10 = arith.constant 0 : i32
    %dma_start3A_11 = tpu.memref_slice %arg5[%dma_start3A_9, %dma_start3A_10] : memref<20480x128xf32, #tpu.memory_space<hbm>> -> memref<20480x128xf32, #tpu.memory_space<hbm>>
    tpu.enqueue_indirect_dma source(%dma_start3A_5 : memref<64x128xf32, #tpu.memory_space<vmem>>) target(%dma_start3A_11 : memref<20480x128xf32, #tpu.memory_space<hbm>>) offsets(%dma_start3A_8 : memref<64xi32, #tpu.memory_space<vmem>>) semaphore(%arg9 : memref<!tpu.dma_semaphore, #tpu.memory_space<semaphore_mem>>)
    %dma_start3A_12 = arith.constant 0 : i32
    %dma_start3A_13 = arith.constant 0 : i32
    %dma_start3A_14 = arith.constant 0 : i32
    %dma_start3A_15 = tpu.memref_slice %arg8[%dma_start3A_13, %dma_start3A_14] : memref<256x128xf32, #tpu.memory_space<vmem>> -> memref<64x128xf32, #tpu.memory_space<vmem>>
    %dma_start3A_16 = arith.constant 0 : i32
    %dma_start3A_17 = tpu.memref_slice %arg7[%dma_start3A_12, %dma_start3A_16] : memref<4x64xi32, #tpu.memory_space<vmem>> -> memref<1x64xi32, #tpu.memory_space<vmem>>
    %dma_start3A_18 = tpu.memref_squeeze %dma_start3A_17 : memref<1x64xi32, #tpu.memory_space<vmem>> -> memref<64xi32, #tpu.memory_space<vmem>>
    %dma_start3A_19 = arith.constant 0 : i32
    %dma_start3A_20 = arith.constant 0 : i32
    %dma_start3A_21 = tpu.memref_slice %arg5[%dma_start3A_19, %dma_start3A_20] : memref<20480x128xf32, #tpu.memory_space<hbm>> -> memref<20480x128xf32, #tpu.memory_space<hbm>>
    tpu.enqueue_indirect_dma source(%dma_start3A_15 : memref<64x128xf32, #tpu.memory_space<vmem>>) target(%dma_start3A_21 : memref<20480x128xf32, #tpu.memory_space<hbm>>) offsets(%dma_start3A_18 : memref<64xi32, #tpu.memory_space<vmem>>) semaphore(%arg9 : memref<!tpu.dma_semaphore, #tpu.memory_space<semaphore_mem>>)
    %dma_start3A_22 = arith.constant 1 : i32
    %dma_start3A_23 = arith.constant 64 : i32
    %dma_start3A_24 = arith.constant 0 : i32
    %dma_start3A_25 = tpu.memref_slice %arg8[%dma_start3A_23, %dma_start3A_24] : memref<256x128xf32, #tpu.memory_space<vmem>> -> memref<64x128xf32, #tpu.memory_space<vmem>>
    %dma_start3A_26 = arith.constant 0 : i32
    %dma_start3A_27 = tpu.memref_slice %arg6[%dma_start3A_22, %dma_start3A_26] : memref<4x64xi32, #tpu.memory_space<vmem>> -> memref<1x64xi32, #tpu.memory_space<vmem>>
    %dma_start3A_28 = tpu.memref_squeeze %dma_start3A_27 : memref<1x64xi32, #tpu.memory_space<vmem>> -> memref<64xi32, #tpu.memory_space<vmem>>
    %dma_start3A_29 = arith.constant 0 : i32
    %dma_start3A_30 = arith.constant 0 : i32
    %dma_start3A_31 = tpu.memref_slice %arg5[%dma_start3A_29, %dma_start3A_30] : memref<20480x128xf32, #tpu.memory_space<hbm>> -> memref<20480x128xf32, #tpu.memory_space<hbm>>
    tpu.enqueue_indirect_dma source(%dma_start3A_25 : memref<64x128xf32, #tpu.memory_space<vmem>>) target(%dma_start3A_31 : memref<20480x128xf32, #tpu.memory_space<hbm>>) offsets(%dma_start3A_28 : memref<64xi32, #tpu.memory_space<vmem>>) semaphore(%arg9 : memref<!tpu.dma_semaphore, #tpu.memory_space<semaphore_mem>>)
    %dma_start3A_32 = arith.constant 1 : i32
    %dma_start3A_33 = arith.constant 64 : i32
    %dma_start3A_34 = arith.constant 0 : i32
    %dma_start3A_35 = tpu.memref_slice %arg8[%dma_start3A_33, %dma_start3A_34] : memref<256x128xf32, #tpu.memory_space<vmem>> -> memref<64x128xf32, #tpu.memory_space<vmem>>
    %dma_start3A_36 = arith.constant 0 : i32
    %dma_start3A_37 = tpu.memref_slice %arg7[%dma_start3A_32, %dma_start3A_36] : memref<4x64xi32, #tpu.memory_space<vmem>> -> memref<1x64xi32, #tpu.memory_space<vmem>>
    %dma_start3A_38 = tpu.memref_squeeze %dma_start3A_37 : memref<1x64xi32, #tpu.memory_space<vmem>> -> memref<64xi32, #tpu.memory_space<vmem>>
    %dma_start3A_39 = arith.constant 0 : i32
    %dma_start3A_40 = arith.constant 0 : i32
    %dma_start3A_41 = tpu.memref_slice %arg5[%dma_start3A_39, %dma_start3A_40] : memref<20480x128xf32, #tpu.memory_space<hbm>> -> memref<20480x128xf32, #tpu.memory_space<hbm>>
    tpu.enqueue_indirect_dma source(%dma_start3A_35 : memref<64x128xf32, #tpu.memory_space<vmem>>) target(%dma_start3A_41 : memref<20480x128xf32, #tpu.memory_space<hbm>>) offsets(%dma_start3A_38 : memref<64xi32, #tpu.memory_space<vmem>>) semaphore(%arg9 : memref<!tpu.dma_semaphore, #tpu.memory_space<semaphore_mem>>)
    %dma_start3A_42 = arith.constant 2 : i32
    %dma_start3A_43 = arith.constant 128 : i32
    %dma_start3A_44 = arith.constant 0 : i32
    %dma_start3A_45 = tpu.memref_slice %arg8[%dma_start3A_43, %dma_start3A_44] : memref<256x128xf32, #tpu.memory_space<vmem>> -> memref<64x128xf32, #tpu.memory_space<vmem>>
    %dma_start3A_46 = arith.constant 0 : i32
    %dma_start3A_47 = tpu.memref_slice %arg6[%dma_start3A_42, %dma_start3A_46] : memref<4x64xi32, #tpu.memory_space<vmem>> -> memref<1x64xi32, #tpu.memory_space<vmem>>
    %dma_start3A_48 = tpu.memref_squeeze %dma_start3A_47 : memref<1x64xi32, #tpu.memory_space<vmem>> -> memref<64xi32, #tpu.memory_space<vmem>>
    %dma_start3A_49 = arith.constant 0 : i32
    %dma_start3A_50 = arith.constant 0 : i32
    %dma_start3A_51 = tpu.memref_slice %arg5[%dma_start3A_49, %dma_start3A_50] : memref<20480x128xf32, #tpu.memory_space<hbm>> -> memref<20480x128xf32, #tpu.memory_space<hbm>>
    tpu.enqueue_indirect_dma source(%dma_start3A_45 : memref<64x128xf32, #tpu.memory_space<vmem>>) target(%dma_start3A_51 : memref<20480x128xf32, #tpu.memory_space<hbm>>) offsets(%dma_start3A_48 : memref<64xi32, #tpu.memory_space<vmem>>) semaphore(%arg9 : memref<!tpu.dma_semaphore, #tpu.memory_space<semaphore_mem>>)
    %dma_start3A_52 = arith.constant 2 : i32
    %dma_start3A_53 = arith.constant 128 : i32
    %dma_start3A_54 = arith.constant 0 : i32
    %dma_start3A_55 = tpu.memref_slice %arg8[%dma_start3A_53, %dma_start3A_54] : memref<256x128xf32, #tpu.memory_space<vmem>> -> memref<64x128xf32, #tpu.memory_space<vmem>>
    %dma_start3A_56 = arith.constant 0 : i32
    %dma_start3A_57 = tpu.memref_slice %arg7[%dma_start3A_52, %dma_start3A_56] : memref<4x64xi32, #tpu.memory_space<vmem>> -> memref<1x64xi32, #tpu.memory_space<vmem>>
    %dma_start3A_58 = tpu.memref_squeeze %dma_start3A_57 : memref<1x64xi32, #tpu.memory_space<vmem>> -> memref<64xi32, #tpu.memory_space<vmem>>
    %dma_start3A_59 = arith.constant 0 : i32
    %dma_start3A_60 = arith.constant 0 : i32
    %dma_start3A_61 = tpu.memref_slice %arg5[%dma_start3A_59, %dma_start3A_60] : memref<20480x128xf32, #tpu.memory_space<hbm>> -> memref<20480x128xf32, #tpu.memory_space<hbm>>
    tpu.enqueue_indirect_dma source(%dma_start3A_55 : memref<64x128xf32, #tpu.memory_space<vmem>>) target(%dma_start3A_61 : memref<20480x128xf32, #tpu.memory_space<hbm>>) offsets(%dma_start3A_58 : memref<64xi32, #tpu.memory_space<vmem>>) semaphore(%arg9 : memref<!tpu.dma_semaphore, #tpu.memory_space<semaphore_mem>>)
    %dma_start3A_62 = arith.constant 3 : i32
    %dma_start3A_63 = arith.constant 192 : i32
    %dma_start3A_64 = arith.constant 0 : i32
    %dma_start3A_65 = tpu.memref_slice %arg8[%dma_start3A_63, %dma_start3A_64] : memref<256x128xf32, #tpu.memory_space<vmem>> -> memref<64x128xf32, #tpu.memory_space<vmem>>
    %dma_start3A_66 = arith.constant 0 : i32
    %dma_start3A_67 = tpu.memref_slice %arg6[%dma_start3A_62, %dma_start3A_66] : memref<4x64xi32, #tpu.memory_space<vmem>> -> memref<1x64xi32, #tpu.memory_space<vmem>>
    %dma_start3A_68 = tpu.memref_squeeze %dma_start3A_67 : memref<1x64xi32, #tpu.memory_space<vmem>> -> memref<64xi32, #tpu.memory_space<vmem>>
    %dma_start3A_69 = arith.constant 0 : i32
    %dma_start3A_70 = arith.constant 0 : i32
    %dma_start3A_71 = tpu.memref_slice %arg5[%dma_start3A_69, %dma_start3A_70] : memref<20480x128xf32, #tpu.memory_space<hbm>> -> memref<20480x128xf32, #tpu.memory_space<hbm>>
    tpu.enqueue_indirect_dma source(%dma_start3A_65 : memref<64x128xf32, #tpu.memory_space<vmem>>) target(%dma_start3A_71 : memref<20480x128xf32, #tpu.memory_space<hbm>>) offsets(%dma_start3A_68 : memref<64xi32, #tpu.memory_space<vmem>>) semaphore(%arg9 : memref<!tpu.dma_semaphore, #tpu.memory_space<semaphore_mem>>)
    %dma_start3A_72 = arith.constant 3 : i32
    %dma_start3A_73 = arith.constant 192 : i32
    %dma_start3A_74 = arith.constant 0 : i32
    %dma_start3A_75 = tpu.memref_slice %arg8[%dma_start3A_73, %dma_start3A_74] : memref<256x128xf32, #tpu.memory_space<vmem>> -> memref<64x128xf32, #tpu.memory_space<vmem>>
    %dma_start3A_76 = arith.constant 0 : i32
    %dma_start3A_77 = tpu.memref_slice %arg7[%dma_start3A_72, %dma_start3A_76] : memref<4x64xi32, #tpu.memory_space<vmem>> -> memref<1x64xi32, #tpu.memory_space<vmem>>
    %dma_start3A_78 = tpu.memref_squeeze %dma_start3A_77 : memref<1x64xi32, #tpu.memory_space<vmem>> -> memref<64xi32, #tpu.memory_space<vmem>>
    %dma_start3A_79 = arith.constant 0 : i32
    %dma_start3A_80 = arith.constant 0 : i32
    %dma_start3A_81 = tpu.memref_slice %arg5[%dma_start3A_79, %dma_start3A_80] : memref<20480x128xf32, #tpu.memory_space<hbm>> -> memref<20480x128xf32, #tpu.memory_space<hbm>>
    tpu.enqueue_indirect_dma source(%dma_start3A_75 : memref<64x128xf32, #tpu.memory_space<vmem>>) target(%dma_start3A_81 : memref<20480x128xf32, #tpu.memory_space<hbm>>) offsets(%dma_start3A_78 : memref<64xi32, #tpu.memory_space<vmem>>) semaphore(%arg9 : memref<!tpu.dma_semaphore, #tpu.memory_space<semaphore_mem>>)
    %dma_wait3A = arith.constant 0 : i32
    %dma_wait3A_82 = arith.constant 0 : i32
    %dma_wait3A_83 = arith.constant 0 : i32
    %dma_wait3A_84 = tpu.memref_slice %arg8[%dma_wait3A_82, %dma_wait3A_83] : memref<256x128xf32, #tpu.memory_space<vmem>> -> memref<64x128xf32, #tpu.memory_space<vmem>>
    %dma_wait3A_85 = arith.constant 0 : i32
    %dma_wait3A_86 = tpu.memref_slice %arg6[%dma_wait3A, %dma_wait3A_85] : memref<4x64xi32, #tpu.memory_space<vmem>> -> memref<1x64xi32, #tpu.memory_space<vmem>>
    %dma_wait3A_87 = tpu.memref_squeeze %dma_wait3A_86 : memref<1x64xi32, #tpu.memory_space<vmem>> -> memref<64xi32, #tpu.memory_space<vmem>>
    %dma_wait3A_88 = arith.constant 0 : i32
    %dma_wait3A_89 = arith.constant 0 : i32
    %dma_wait3A_90 = tpu.memref_slice %arg5[%dma_wait3A_88, %dma_wait3A_89] : memref<20480x128xf32, #tpu.memory_space<hbm>> -> memref<20480x128xf32, #tpu.memory_space<hbm>>
    tpu.wait_indirect_dma semaphore(%arg9 : memref<!tpu.dma_semaphore, #tpu.memory_space<semaphore_mem>>) src(%dma_wait3A_84 : memref<64x128xf32, #tpu.memory_space<vmem>>) dst(%dma_wait3A_90 : memref<20480x128xf32, #tpu.memory_space<hbm>>)
    %dma_wait3A_91 = arith.constant 0 : i32
    %dma_wait3A_92 = arith.constant 0 : i32
    %dma_wait3A_93 = arith.constant 0 : i32
    %dma_wait3A_94 = tpu.memref_slice %arg8[%dma_wait3A_92, %dma_wait3A_93] : memref<256x128xf32, #tpu.memory_space<vmem>> -> memref<64x128xf32, #tpu.memory_space<vmem>>
    %dma_wait3A_95 = arith.constant 0 : i32
    %dma_wait3A_96 = tpu.memref_slice %arg7[%dma_wait3A_91, %dma_wait3A_95] : memref<4x64xi32, #tpu.memory_space<vmem>> -> memref<1x64xi32, #tpu.memory_space<vmem>>
    %dma_wait3A_97 = tpu.memref_squeeze %dma_wait3A_96 : memref<1x64xi32, #tpu.memory_space<vmem>> -> memref<64xi32, #tpu.memory_space<vmem>>
    %dma_wait3A_98 = arith.constant 0 : i32
    %dma_wait3A_99 = arith.constant 0 : i32
    %dma_wait3A_100 = tpu.memref_slice %arg5[%dma_wait3A_98, %dma_wait3A_99] : memref<20480x128xf32, #tpu.memory_space<hbm>> -> memref<20480x128xf32, #tpu.memory_space<hbm>>
    tpu.wait_indirect_dma semaphore(%arg9 : memref<!tpu.dma_semaphore, #tpu.memory_space<semaphore_mem>>) src(%dma_wait3A_94 : memref<64x128xf32, #tpu.memory_space<vmem>>) dst(%dma_wait3A_100 : memref<20480x128xf32, #tpu.memory_space<hbm>>)
    %dma_wait3A_101 = arith.constant 1 : i32
    %dma_wait3A_102 = arith.constant 64 : i32
    %dma_wait3A_103 = arith.constant 0 : i32
    %dma_wait3A_104 = tpu.memref_slice %arg8[%dma_wait3A_102, %dma_wait3A_103] : memref<256x128xf32, #tpu.memory_space<vmem>> -> memref<64x128xf32, #tpu.memory_space<vmem>>
    %dma_wait3A_105 = arith.constant 0 : i32
    %dma_wait3A_106 = tpu.memref_slice %arg6[%dma_wait3A_101, %dma_wait3A_105] : memref<4x64xi32, #tpu.memory_space<vmem>> -> memref<1x64xi32, #tpu.memory_space<vmem>>
    %dma_wait3A_107 = tpu.memref_squeeze %dma_wait3A_106 : memref<1x64xi32, #tpu.memory_space<vmem>> -> memref<64xi32, #tpu.memory_space<vmem>>
    %dma_wait3A_108 = arith.constant 0 : i32
    %dma_wait3A_109 = arith.constant 0 : i32
    %dma_wait3A_110 = tpu.memref_slice %arg5[%dma_wait3A_108, %dma_wait3A_109] : memref<20480x128xf32, #tpu.memory_space<hbm>> -> memref<20480x128xf32, #tpu.memory_space<hbm>>
    tpu.wait_indirect_dma semaphore(%arg9 : memref<!tpu.dma_semaphore, #tpu.memory_space<semaphore_mem>>) src(%dma_wait3A_104 : memref<64x128xf32, #tpu.memory_space<vmem>>) dst(%dma_wait3A_110 : memref<20480x128xf32, #tpu.memory_space<hbm>>)
    %dma_wait3A_111 = arith.constant 1 : i32
    %dma_wait3A_112 = arith.constant 64 : i32
    %dma_wait3A_113 = arith.constant 0 : i32
    %dma_wait3A_114 = tpu.memref_slice %arg8[%dma_wait3A_112, %dma_wait3A_113] : memref<256x128xf32, #tpu.memory_space<vmem>> -> memref<64x128xf32, #tpu.memory_space<vmem>>
    %dma_wait3A_115 = arith.constant 0 : i32
    %dma_wait3A_116 = tpu.memref_slice %arg7[%dma_wait3A_111, %dma_wait3A_115] : memref<4x64xi32, #tpu.memory_space<vmem>> -> memref<1x64xi32, #tpu.memory_space<vmem>>
    %dma_wait3A_117 = tpu.memref_squeeze %dma_wait3A_116 : memref<1x64xi32, #tpu.memory_space<vmem>> -> memref<64xi32, #tpu.memory_space<vmem>>
    %dma_wait3A_118 = arith.constant 0 : i32
    %dma_wait3A_119 = arith.constant 0 : i32
    %dma_wait3A_120 = tpu.memref_slice %arg5[%dma_wait3A_118, %dma_wait3A_119] : memref<20480x128xf32, #tpu.memory_space<hbm>> -> memref<20480x128xf32, #tpu.memory_space<hbm>>
    tpu.wait_indirect_dma semaphore(%arg9 : memref<!tpu.dma_semaphore, #tpu.memory_space<semaphore_mem>>) src(%dma_wait3A_114 : memref<64x128xf32, #tpu.memory_space<vmem>>) dst(%dma_wait3A_120 : memref<20480x128xf32, #tpu.memory_space<hbm>>)
    %dma_wait3A_121 = arith.constant 2 : i32
    %dma_wait3A_122 = arith.constant 128 : i32
    %dma_wait3A_123 = arith.constant 0 : i32
    %dma_wait3A_124 = tpu.memref_slice %arg8[%dma_wait3A_122, %dma_wait3A_123] : memref<256x128xf32, #tpu.memory_space<vmem>> -> memref<64x128xf32, #tpu.memory_space<vmem>>
    %dma_wait3A_125 = arith.constant 0 : i32
    %dma_wait3A_126 = tpu.memref_slice %arg6[%dma_wait3A_121, %dma_wait3A_125] : memref<4x64xi32, #tpu.memory_space<vmem>> -> memref<1x64xi32, #tpu.memory_space<vmem>>
    %dma_wait3A_127 = tpu.memref_squeeze %dma_wait3A_126 : memref<1x64xi32, #tpu.memory_space<vmem>> -> memref<64xi32, #tpu.memory_space<vmem>>
    %dma_wait3A_128 = arith.constant 0 : i32
    %dma_wait3A_129 = arith.constant 0 : i32
    %dma_wait3A_130 = tpu.memref_slice %arg5[%dma_wait3A_128, %dma_wait3A_129] : memref<20480x128xf32, #tpu.memory_space<hbm>> -> memref<20480x128xf32, #tpu.memory_space<hbm>>
    tpu.wait_indirect_dma semaphore(%arg9 : memref<!tpu.dma_semaphore, #tpu.memory_space<semaphore_mem>>) src(%dma_wait3A_124 : memref<64x128xf32, #tpu.memory_space<vmem>>) dst(%dma_wait3A_130 : memref<20480x128xf32, #tpu.memory_space<hbm>>)
    %dma_wait3A_131 = arith.constant 2 : i32
    %dma_wait3A_132 = arith.constant 128 : i32
    %dma_wait3A_133 = arith.constant 0 : i32
    %dma_wait3A_134 = tpu.memref_slice %arg8[%dma_wait3A_132, %dma_wait3A_133] : memref<256x128xf32, #tpu.memory_space<vmem>> -> memref<64x128xf32, #tpu.memory_space<vmem>>
    %dma_wait3A_135 = arith.constant 0 : i32
    %dma_wait3A_136 = tpu.memref_slice %arg7[%dma_wait3A_131, %dma_wait3A_135] : memref<4x64xi32, #tpu.memory_space<vmem>> -> memref<1x64xi32, #tpu.memory_space<vmem>>
    %dma_wait3A_137 = tpu.memref_squeeze %dma_wait3A_136 : memref<1x64xi32, #tpu.memory_space<vmem>> -> memref<64xi32, #tpu.memory_space<vmem>>
    %dma_wait3A_138 = arith.constant 0 : i32
    %dma_wait3A_139 = arith.constant 0 : i32
    %dma_wait3A_140 = tpu.memref_slice %arg5[%dma_wait3A_138, %dma_wait3A_139] : memref<20480x128xf32, #tpu.memory_space<hbm>> -> memref<20480x128xf32, #tpu.memory_space<hbm>>
    tpu.wait_indirect_dma semaphore(%arg9 : memref<!tpu.dma_semaphore, #tpu.memory_space<semaphore_mem>>) src(%dma_wait3A_134 : memref<64x128xf32, #tpu.memory_space<vmem>>) dst(%dma_wait3A_140 : memref<20480x128xf32, #tpu.memory_space<hbm>>)
    %dma_wait3A_141 = arith.constant 3 : i32
    %dma_wait3A_142 = arith.constant 192 : i32
    %dma_wait3A_143 = arith.constant 0 : i32
    %dma_wait3A_144 = tpu.memref_slice %arg8[%dma_wait3A_142, %dma_wait3A_143] : memref<256x128xf32, #tpu.memory_space<vmem>> -> memref<64x128xf32, #tpu.memory_space<vmem>>
    %dma_wait3A_145 = arith.constant 0 : i32
    %dma_wait3A_146 = tpu.memref_slice %arg6[%dma_wait3A_141, %dma_wait3A_145] : memref<4x64xi32, #tpu.memory_space<vmem>> -> memref<1x64xi32, #tpu.memory_space<vmem>>
    %dma_wait3A_147 = tpu.memref_squeeze %dma_wait3A_146 : memref<1x64xi32, #tpu.memory_space<vmem>> -> memref<64xi32, #tpu.memory_space<vmem>>
    %dma_wait3A_148 = arith.constant 0 : i32
    %dma_wait3A_149 = arith.constant 0 : i32
    %dma_wait3A_150 = tpu.memref_slice %arg5[%dma_wait3A_148, %dma_wait3A_149] : memref<20480x128xf32, #tpu.memory_space<hbm>> -> memref<20480x128xf32, #tpu.memory_space<hbm>>
    tpu.wait_indirect_dma semaphore(%arg9 : memref<!tpu.dma_semaphore, #tpu.memory_space<semaphore_mem>>) src(%dma_wait3A_144 : memref<64x128xf32, #tpu.memory_space<vmem>>) dst(%dma_wait3A_150 : memref<20480x128xf32, #tpu.memory_space<hbm>>)
    %dma_wait3A_151 = arith.constant 3 : i32
    %dma_wait3A_152 = arith.constant 192 : i32
    %dma_wait3A_153 = arith.constant 0 : i32
    %dma_wait3A_154 = tpu.memref_slice %arg8[%dma_wait3A_152, %dma_wait3A_153] : memref<256x128xf32, #tpu.memory_space<vmem>> -> memref<64x128xf32, #tpu.memory_space<vmem>>
    %dma_wait3A_155 = arith.constant 0 : i32
    %dma_wait3A_156 = tpu.memref_slice %arg7[%dma_wait3A_151, %dma_wait3A_155] : memref<4x64xi32, #tpu.memory_space<vmem>> -> memref<1x64xi32, #tpu.memory_space<vmem>>
    %dma_wait3A_157 = tpu.memref_squeeze %dma_wait3A_156 : memref<1x64xi32, #tpu.memory_space<vmem>> -> memref<64xi32, #tpu.memory_space<vmem>>
    %dma_wait3A_158 = arith.constant 0 : i32
    %dma_wait3A_159 = arith.constant 0 : i32
    %dma_wait3A_160 = tpu.memref_slice %arg5[%dma_wait3A_158, %dma_wait3A_159] : memref<20480x128xf32, #tpu.memory_space<hbm>> -> memref<20480x128xf32, #tpu.memory_space<hbm>>
    tpu.wait_indirect_dma semaphore(%arg9 : memref<!tpu.dma_semaphore, #tpu.memory_space<semaphore_mem>>) src(%dma_wait3A_154 : memref<64x128xf32, #tpu.memory_space<vmem>>) dst(%dma_wait3A_160 : memref<20480x128xf32, #tpu.memory_space<hbm>>)
    return
  }
}

module attributes {stable_mosaic.version = 14 : i64} {
  func.func @_router_body(%arg0: i32, %arg1: memref<512x64xf32, #tpu.memory_space<vmem>>, %arg2: memref<64x1280xf32, #tpu.memory_space<vmem>>, %arg3: memref<1x1280xf32, #tpu.memory_space<vmem>>, %arg4: memref<1280x128xf32, #tpu.memory_space<vmem>>, %arg5: memref<1x128xf32, #tpu.memory_space<vmem>>, %arg6: memref<512x2xi32, #tpu.memory_space<vmem>>, %arg7: memref<512x2xf32, #tpu.memory_space<vmem>>) attributes {dimension_semantics = [#tpu.dimension_semantics<arbitrary>], iteration_bounds = array<i64: 16>, scalar_prefetch = 0 : i64, scratch_operands = 0 : i64, tpu.core_type = #tpu.core_type<tc>, window_params = [{transform_indices = @transform_0, window_bounds = array<i64: 512, 64>}, {pipeline_mode = #tpu.pipeline_mode<synchronous>, transform_indices = @transform_1, window_bounds = array<i64: 64, 1280>}, {pipeline_mode = #tpu.pipeline_mode<synchronous>, transform_indices = @transform_2, window_bounds = array<i64: 1, 1280>}, {pipeline_mode = #tpu.pipeline_mode<synchronous>, transform_indices = @transform_3, window_bounds = array<i64: 1280, 128>}, {pipeline_mode = #tpu.pipeline_mode<synchronous>, transform_indices = @transform_4, window_bounds = array<i64: 1, 128>}, {transform_indices = @transform_5, window_bounds = array<i64: 512, 2>}, {transform_indices = @transform_6, window_bounds = array<i64: 512, 2>}]} {
    %get3A = arith.constant 0 : index
    %get3A_0 = arith.constant 0 : index
    %get3A_1 = vector.load %arg1[%get3A, %get3A_0] : memref<512x64xf32, #tpu.memory_space<vmem>>, vector<512x64xf32>
    %get3A_2 = arith.constant 0 : index
    %get3A_3 = arith.constant 0 : index
    %get3A_4 = vector.load %arg2[%get3A_2, %get3A_3] : memref<64x1280xf32, #tpu.memory_space<vmem>>, vector<64x1280xf32>
    %dot_general3A = arith.constant dense<0.000000e+00> : vector<512x1280xf32>
    %dot_general3A_5 = tpu.matmul %get3A_1, %get3A_4, %dot_general3A {dimension_numbers = #tpu.dot_dimension_numbers<[1], [0], [0], [1], [0, 0, 1, 1], [], []>, transpose_lhs_hint = false} : vector<512x64xf32>, vector<64x1280xf32>, vector<512x1280xf32> -> vector<512x1280xf32>
    %get3A_6 = arith.constant 0 : index
    %get3A_7 = arith.constant 0 : index
    %get3A_8 = vector.load %arg3[%get3A_6, %get3A_7] : memref<1x1280xf32, #tpu.memory_space<vmem>>, vector<1x1280xf32>
    %add3A = vector.broadcast %get3A_8 : vector<1x1280xf32> to vector<512x1280xf32>
    %add3A_9 = arith.addf %dot_general3A_5, %add3A : vector<512x1280xf32>
    %max3A = arith.constant 0.000000e+00 : f32
    %max3A_10 = vector.broadcast %max3A : f32 to vector<512x1280xf32>
    %max3A_11 = arith.maximumf %add3A_9, %max3A_10 : vector<512x1280xf32>
    %get3A_12 = arith.constant 0 : index
    %get3A_13 = arith.constant 0 : index
    %get3A_14 = vector.load %arg4[%get3A_12, %get3A_13] : memref<1280x128xf32, #tpu.memory_space<vmem>>, vector<1280x128xf32>
    %dot_general3A_15 = arith.constant dense<0.000000e+00> : vector<512x128xf32>
    %dot_general3A_16 = tpu.matmul %max3A_11, %get3A_14, %dot_general3A_15 {dimension_numbers = #tpu.dot_dimension_numbers<[1], [0], [0], [1], [0, 0, 1, 1], [], []>, transpose_lhs_hint = false} : vector<512x1280xf32>, vector<1280x128xf32>, vector<512x128xf32> -> vector<512x128xf32>
    %get3A_17 = arith.constant 0 : index
    %get3A_18 = arith.constant 0 : index
    %get3A_19 = vector.load %arg5[%get3A_17, %get3A_18] : memref<1x128xf32, #tpu.memory_space<vmem>>, vector<1x128xf32>
    %add3A_20 = vector.broadcast %get3A_19 : vector<1x128xf32> to vector<512x128xf32>
    %add3A_21 = arith.addf %dot_general3A_16, %add3A_20 : vector<512x128xf32>
    %iota3A = tpu.iota {dimensions = array<i32: 1>} : vector<512x128xi32>
    %lt3A = arith.constant 16 : i32
    %lt3A_22 = vector.broadcast %lt3A : i32 to vector<512x128xi32>
    %lt3A_23 = arith.cmpi slt, %iota3A, %lt3A_22 : vector<512x128xi32>
    %jit3A = arith.constant -1.000000e+30 : f32
    %broadcast_in_dim3A = vector.broadcast %jit3A : f32 to vector<512x128xf32>
    %select_n3A = arith.select %lt3A_23, %add3A_21, %broadcast_in_dim3A : vector<512x128xi1>, vector<512x128xf32>
    %reduce_max3A = arith.constant dense<0xFF800000> : vector<512xf32>
    %reduce_max3A_24 = vector.multi_reduction <maximumf>, %select_n3A, %reduce_max3A [1] : vector<512x128xf32> to vector<512xf32>
    %broadcast_in_dim3A_25 = vector.shape_cast %reduce_max3A_24 : vector<512xf32> to vector<512x1xf32>
    %argmax3A = tpu.reduce_index %select_n3A {axis = 1 : i32, kind = #tpu.reduction_kind<arg_max>} : vector<512x128xf32> -> vector<512xi32>
    %broadcast_in_dim3A_26 = vector.shape_cast %argmax3A : vector<512xi32> to vector<512x1xi32>
    %eq3A = vector.broadcast %broadcast_in_dim3A_26 : vector<512x1xi32> to vector<512x128xi32>
    %eq3A_27 = arith.cmpi eq, %iota3A, %eq3A : vector<512x128xi32>
    %jit3A_28 = arith.constant -1.000000e+30 : f32
    %broadcast_in_dim3A_29 = vector.broadcast %jit3A_28 : f32 to vector<512x128xf32>
    %select_n3A_30 = arith.select %eq3A_27, %broadcast_in_dim3A_29, %select_n3A : vector<512x128xi1>, vector<512x128xf32>
    %reduce_max3A_31 = arith.constant dense<0xFF800000> : vector<512xf32>
    %reduce_max3A_32 = vector.multi_reduction <maximumf>, %select_n3A_30, %reduce_max3A_31 [1] : vector<512x128xf32> to vector<512xf32>
    %broadcast_in_dim3A_33 = vector.shape_cast %reduce_max3A_32 : vector<512xf32> to vector<512x1xf32>
    %argmax3A_34 = tpu.reduce_index %select_n3A_30 {axis = 1 : i32, kind = #tpu.reduction_kind<arg_max>} : vector<512x128xf32> -> vector<512xi32>
    %sub3A = arith.subf %broadcast_in_dim3A_33, %broadcast_in_dim3A_25 : vector<512x1xf32>
    %exp3A = math.exp %sub3A : vector<512x1xf32>
    %add3A_35 = arith.constant 1.000000e+00 : f32
    %add3A_36 = vector.broadcast %add3A_35 : f32 to vector<512x1xf32>
    %add3A_37 = arith.addf %add3A_36, %exp3A : vector<512x1xf32>
    %div3A = arith.constant 1.000000e+00 : f32
    %div3A_38 = vector.broadcast %div3A : f32 to vector<512x1xf32>
    %div3A_39 = arith.divf %div3A_38, %add3A_37 : vector<512x1xf32>
    %broadcast_in_dim3A_40 = vector.shape_cast %argmax3A : vector<512xi32> to vector<512x1xi32>
    %swap3A = arith.constant 0 : index
    %swap3A_41 = arith.constant 0 : index
    %swap3A_42 = vector.load %arg6[%swap3A, %swap3A_41] : memref<512x2xi32, #tpu.memory_space<vmem>>, vector<512x1xi32>
    tpu.vector_store %arg6[%swap3A, %swap3A_41], %broadcast_in_dim3A_40 {strides = array<i32>} : memref<512x2xi32, #tpu.memory_space<vmem>>, vector<512x1xi32>,
    %broadcast_in_dim3A_43 = vector.shape_cast %argmax3A_34 : vector<512xi32> to vector<512x1xi32>
    %swap3A_44 = arith.constant 0 : index
    %swap3A_45 = arith.constant 1 : index
    %swap3A_46 = vector.load %arg6[%swap3A_44, %swap3A_45] : memref<512x2xi32, #tpu.memory_space<vmem>>, vector<512x1xi32>
    tpu.vector_store %arg6[%swap3A_44, %swap3A_45], %broadcast_in_dim3A_43 {strides = array<i32>} : memref<512x2xi32, #tpu.memory_space<vmem>>, vector<512x1xi32>,
    %swap3A_47 = arith.constant 0 : index
    %swap3A_48 = arith.constant 0 : index
    %swap3A_49 = vector.load %arg7[%swap3A_47, %swap3A_48] : memref<512x2xf32, #tpu.memory_space<vmem>>, vector<512x1xf32>
    tpu.vector_store %arg7[%swap3A_47, %swap3A_48], %div3A_39 {strides = array<i32>} : memref<512x2xf32, #tpu.memory_space<vmem>>, vector<512x1xf32>,
    %sub3A_50 = arith.constant 1.000000e+00 : f32
    %sub3A_51 = vector.broadcast %sub3A_50 : f32 to vector<512x1xf32>
    %sub3A_52 = arith.subf %sub3A_51, %div3A_39 : vector<512x1xf32>
    %swap3A_53 = arith.constant 0 : index
    %swap3A_54 = arith.constant 1 : index
    %swap3A_55 = vector.load %arg7[%swap3A_53, %swap3A_54] : memref<512x2xf32, #tpu.memory_space<vmem>>, vector<512x1xf32>
    tpu.vector_store %arg7[%swap3A_53, %swap3A_54], %sub3A_52 {strides = array<i32>} : memref<512x2xf32, #tpu.memory_space<vmem>>, vector<512x1xf32>,
    return
  }
  func.func @transform_0(%arg0: i32) -> (i32, i32) {
    %c0_i32 = arith.constant 0 : i32
    %c0_i32_0 = arith.constant 0 : i32
    return %arg0, %c0_i32 : i32, i32
  }
  func.func @transform_1(%arg0: i32) -> (i32, i32) {
    %c0_i32 = arith.constant 0 : i32
    %c0_i32_0 = arith.constant 0 : i32
    %c0_i32_1 = arith.constant 0 : i32
    return %c0_i32, %c0_i32_0 : i32, i32
  }
  func.func @transform_2(%arg0: i32) -> (i32, i32) {
    %c0_i32 = arith.constant 0 : i32
    %c0_i32_0 = arith.constant 0 : i32
    %c0_i32_1 = arith.constant 0 : i32
    return %c0_i32, %c0_i32_0 : i32, i32
  }
  func.func @transform_3(%arg0: i32) -> (i32, i32) {
    %c0_i32 = arith.constant 0 : i32
    %c0_i32_0 = arith.constant 0 : i32
    %c0_i32_1 = arith.constant 0 : i32
    return %c0_i32, %c0_i32_0 : i32, i32
  }
  func.func @transform_4(%arg0: i32) -> (i32, i32) {
    %c0_i32 = arith.constant 0 : i32
    %c0_i32_0 = arith.constant 0 : i32
    %c0_i32_1 = arith.constant 0 : i32
    return %c0_i32, %c0_i32_0 : i32, i32
  }
  func.func @transform_5(%arg0: i32) -> (i32, i32) {
    %c0_i32 = arith.constant 0 : i32
    %c0_i32_0 = arith.constant 0 : i32
    return %arg0, %c0_i32 : i32, i32
  }
  func.func @transform_6(%arg0: i32) -> (i32, i32) {
    %c0_i32 = arith.constant 0 : i32
    %c0_i32_0 = arith.constant 0 : i32
    return %arg0, %c0_i32 : i32, i32
  }
}

module attributes {stable_mosaic.version = 14 : i64} {
  func.func @_expert_body(%arg0: i32, %arg1: memref<80xi32, #tpu.memory_space<smem>>, %arg2: memref<1xi32, #tpu.memory_space<smem>>, %arg3: memref<256x128xf32, #tpu.memory_space<vmem>>, %arg4: memref<1x128x128xf32, #tpu.memory_space<vmem>>, %arg5: memref<1x128x128xf32, #tpu.memory_space<vmem>>, %arg6: memref<1x128x128xf32, #tpu.memory_space<vmem>>, %arg7: memref<1x128x128xf32, #tpu.memory_space<vmem>>, %arg8: memref<1x128x128xf32, #tpu.memory_space<vmem>>, %arg9: memref<256x128xf32, #tpu.memory_space<vmem>>) attributes {dimension_semantics = [#tpu.dimension_semantics<arbitrary>], iteration_bounds = array<i64: 80>, scalar_prefetch = 2 : i64, scratch_operands = 0 : i64, tpu.core_type = #tpu.core_type<tc>, window_params = [{transform_indices = @transform_0, window_bounds = array<i64: 256, 128>}, {transform_indices = @transform_1, window_bounds = array<i64: 1, 128, 128>}, {transform_indices = @transform_2, window_bounds = array<i64: 1, 128, 128>}, {transform_indices = @transform_3, window_bounds = array<i64: 1, 128, 128>}, {transform_indices = @transform_4, window_bounds = array<i64: 1, 128, 128>}, {transform_indices = @transform_5, window_bounds = array<i64: 1, 128, 128>}, {transform_indices = @transform_6, window_bounds = array<i64: 256, 128>}]} {
    %get3A = arith.constant 0 : index
    %get3A_0 = memref.load %arg2[%get3A] : memref<1xi32, #tpu.memory_space<smem>>
    %lt3A = arith.cmpi slt, %arg0, %get3A_0 : i32
    %convert_element_type3A = arith.extui %lt3A : i1 to i32
    %cond3A = arith.constant 0 : i32
    %cond3A_1 = arith.cmpi ne, %convert_element_type3A, %cond3A : i32
    scf.if %cond3A_1 {
      %iota3A = tpu.iota {dimensions = array<i32: 1>} : vector<256x128xi32>
      %get3A_2 = arith.constant 0 : index
      %get3A_3 = arith.constant 0 : index
      %get3A_4 = vector.load %arg3[%get3A_2, %get3A_3] : memref<256x128xf32, #tpu.memory_space<vmem>>, vector<256x128xf32>
      %get3A_5 = arith.constant 0 : index
      %get3A_6 = arith.constant 0 : index
      %get3A_7 = arith.constant 0 : index
      %get3A_8 = vector.load %arg4[%get3A_5, %get3A_6, %get3A_7] : memref<1x128x128xf32, #tpu.memory_space<vmem>>, vector<1x128x128xf32>
      %get3A_9 = vector.shape_cast %get3A_8 : vector<1x128x128xf32> to vector<128x128xf32>
      %dot_general3A = arith.constant dense<0.000000e+00> : vector<256x128xf32>
      %dot_general3A_10 = tpu.matmul %get3A_4, %get3A_9, %dot_general3A {dimension_numbers = #tpu.dot_dimension_numbers<[1], [0], [0], [1], [0, 0, 1, 1], [], []>, transpose_lhs_hint = false} : vector<256x128xf32>, vector<128x128xf32>, vector<256x128xf32> -> vector<256x128xf32>
      %mul3A = arith.constant 3.000000e+01 : f32
      %mul3A_11 = vector.broadcast %mul3A : f32 to vector<256x128xf32>
      %mul3A_12 = arith.mulf %mul3A_11, %dot_general3A_10 : vector<256x128xf32>
      %sin3A = math.sin %mul3A_12 : vector<256x128xf32>
      %eq3A = arith.constant 78 : i32
      %eq3A_13 = vector.broadcast %eq3A : i32 to vector<256x128xi32>
      %eq3A_14 = arith.cmpi eq, %iota3A, %eq3A_13 : vector<256x128xi32>
      %jit3A = arith.constant 1.000000e+00 : f32
      %broadcast_in_dim3A = vector.broadcast %jit3A : f32 to vector<256x128xf32>
      %select_n3A = arith.select %eq3A_14, %broadcast_in_dim3A, %sin3A : vector<256x128xi1>, vector<256x128xf32>
      %get3A_15 = arith.constant 0 : index
      %get3A_16 = arith.constant 0 : index
      %get3A_17 = arith.constant 0 : index
      %get3A_18 = vector.load %arg5[%get3A_15, %get3A_16, %get3A_17] : memref<1x128x128xf32, #tpu.memory_space<vmem>>, vector<1x128x128xf32>
      %get3A_19 = vector.shape_cast %get3A_18 : vector<1x128x128xf32> to vector<128x128xf32>
      %dot_general3A_20 = arith.constant dense<0.000000e+00> : vector<256x128xf32>
      %dot_general3A_21 = tpu.matmul %select_n3A, %get3A_19, %dot_general3A_20 {dimension_numbers = #tpu.dot_dimension_numbers<[1], [0], [0], [1], [0, 0, 1, 1], [], []>, transpose_lhs_hint = false} : vector<256x128xf32>, vector<128x128xf32>, vector<256x128xf32> -> vector<256x128xf32>
      %mul3A_22 = arith.constant 3.000000e+01 : f32
      %mul3A_23 = vector.broadcast %mul3A_22 : f32 to vector<256x128xf32>
      %mul3A_24 = arith.mulf %mul3A_23, %dot_general3A_21 : vector<256x128xf32>
      %sin3A_25 = math.sin %mul3A_24 : vector<256x128xf32>
      %eq3A_26 = arith.constant 78 : i32
      %eq3A_27 = vector.broadcast %eq3A_26 : i32 to vector<256x128xi32>
      %eq3A_28 = arith.cmpi eq, %iota3A, %eq3A_27 : vector<256x128xi32>
      %jit3A_29 = arith.constant 1.000000e+00 : f32
      %broadcast_in_dim3A_30 = vector.broadcast %jit3A_29 : f32 to vector<256x128xf32>
      %select_n3A_31 = arith.select %eq3A_28, %broadcast_in_dim3A_30, %sin3A_25 : vector<256x128xi1>, vector<256x128xf32>
      %get3A_32 = arith.constant 0 : index
      %get3A_33 = arith.constant 0 : index
      %get3A_34 = arith.constant 0 : index
      %get3A_35 = vector.load %arg6[%get3A_32, %get3A_33, %get3A_34] : memref<1x128x128xf32, #tpu.memory_space<vmem>>, vector<1x128x128xf32>
      %get3A_36 = vector.shape_cast %get3A_35 : vector<1x128x128xf32> to vector<128x128xf32>
      %dot_general3A_37 = arith.constant dense<0.000000e+00> : vector<256x128xf32>
      %dot_general3A_38 = tpu.matmul %select_n3A_31, %get3A_36, %dot_general3A_37 {dimension_numbers = #tpu.dot_dimension_numbers<[1], [0], [0], [1], [0, 0, 1, 1], [], []>, transpose_lhs_hint = false} : vector<256x128xf32>, vector<128x128xf32>, vector<256x128xf32> -> vector<256x128xf32>
      %mul3A_39 = arith.constant 3.000000e+01 : f32
      %mul3A_40 = vector.broadcast %mul3A_39 : f32 to vector<256x128xf32>
      %mul3A_41 = arith.mulf %mul3A_40, %dot_general3A_38 : vector<256x128xf32>
      %sin3A_42 = math.sin %mul3A_41 : vector<256x128xf32>
      %eq3A_43 = arith.constant 78 : i32
      %eq3A_44 = vector.broadcast %eq3A_43 : i32 to vector<256x128xi32>
      %eq3A_45 = arith.cmpi eq, %iota3A, %eq3A_44 : vector<256x128xi32>
      %jit3A_46 = arith.constant 1.000000e+00 : f32
      %broadcast_in_dim3A_47 = vector.broadcast %jit3A_46 : f32 to vector<256x128xf32>
      %select_n3A_48 = arith.select %eq3A_45, %broadcast_in_dim3A_47, %sin3A_42 : vector<256x128xi1>, vector<256x128xf32>
      %get3A_49 = arith.constant 0 : index
      %get3A_50 = arith.constant 0 : index
      %get3A_51 = arith.constant 0 : index
      %get3A_52 = vector.load %arg7[%get3A_49, %get3A_50, %get3A_51] : memref<1x128x128xf32, #tpu.memory_space<vmem>>, vector<1x128x128xf32>
      %get3A_53 = vector.shape_cast %get3A_52 : vector<1x128x128xf32> to vector<128x128xf32>
      %dot_general3A_54 = arith.constant dense<0.000000e+00> : vector<256x128xf32>
      %dot_general3A_55 = tpu.matmul %select_n3A_48, %get3A_53, %dot_general3A_54 {dimension_numbers = #tpu.dot_dimension_numbers<[1], [0], [0], [1], [0, 0, 1, 1], [], []>, transpose_lhs_hint = false} : vector<256x128xf32>, vector<128x128xf32>, vector<256x128xf32> -> vector<256x128xf32>
      %mul3A_56 = arith.constant 3.000000e+01 : f32
      %mul3A_57 = vector.broadcast %mul3A_56 : f32 to vector<256x128xf32>
      %mul3A_58 = arith.mulf %mul3A_57, %dot_general3A_55 : vector<256x128xf32>
      %sin3A_59 = math.sin %mul3A_58 : vector<256x128xf32>
      %eq3A_60 = arith.constant 78 : i32
      %eq3A_61 = vector.broadcast %eq3A_60 : i32 to vector<256x128xi32>
      %eq3A_62 = arith.cmpi eq, %iota3A, %eq3A_61 : vector<256x128xi32>
      %jit3A_63 = arith.constant 1.000000e+00 : f32
      %broadcast_in_dim3A_64 = vector.broadcast %jit3A_63 : f32 to vector<256x128xf32>
      %select_n3A_65 = arith.select %eq3A_62, %broadcast_in_dim3A_64, %sin3A_59 : vector<256x128xi1>, vector<256x128xf32>
      %get3A_66 = arith.constant 0 : index
      %get3A_67 = arith.constant 0 : index
      %get3A_68 = arith.constant 0 : index
      %get3A_69 = vector.load %arg8[%get3A_66, %get3A_67, %get3A_68] : memref<1x128x128xf32, #tpu.memory_space<vmem>>, vector<1x128x128xf32>
      %get3A_70 = vector.shape_cast %get3A_69 : vector<1x128x128xf32> to vector<128x128xf32>
      %dot_general3A_71 = arith.constant dense<0.000000e+00> : vector<256x128xf32>
      %dot_general3A_72 = tpu.matmul %select_n3A_65, %get3A_70, %dot_general3A_71 {dimension_numbers = #tpu.dot_dimension_numbers<[1], [0], [0], [1], [0, 0, 1, 1], [], []>, transpose_lhs_hint = false} : vector<256x128xf32>, vector<128x128xf32>, vector<256x128xf32> -> vector<256x128xf32>
      %swap3A = arith.constant 0 : index
      %swap3A_73 = arith.constant 0 : index
      %swap3A_74 = vector.load %arg9[%swap3A, %swap3A_73] : memref<256x128xf32, #tpu.memory_space<vmem>>, vector<256x128xf32>
      tpu.vector_store %arg9[%swap3A, %swap3A_73], %dot_general3A_72 {strides = array<i32>} : memref<256x128xf32, #tpu.memory_space<vmem>>, vector<256x128xf32>,
    } else {
    }
    return
  }
  func.func @transform_0(%arg0: i32, %arg1: memref<80xi32, #tpu.memory_space<smem>>, %arg2: memref<1xi32, #tpu.memory_space<smem>>) -> (i32, i32) {
    %c0_i32 = arith.constant 0 : i32
    %c0_i32_0 = arith.constant 0 : i32
    return %arg0, %c0_i32 : i32, i32
  }
  func.func @transform_1(%arg0: i32, %arg1: memref<80xi32, #tpu.memory_space<smem>>, %arg2: memref<1xi32, #tpu.memory_space<smem>>) -> (i32, i32, i32) {
    %get3A = arith.index_cast %arg0 : i32 to index
    %get3A_0 = memref.load %arg1[%get3A] : memref<80xi32, #tpu.memory_space<smem>>
    %c0_i32 = arith.constant 0 : i32
    %c0_i32_1 = arith.constant 0 : i32
    %c0_i32_2 = arith.constant 0 : i32
    return %get3A_0, %c0_i32, %c0_i32_1 : i32, i32, i32
  }
  func.func @transform_2(%arg0: i32, %arg1: memref<80xi32, #tpu.memory_space<smem>>, %arg2: memref<1xi32, #tpu.memory_space<smem>>) -> (i32, i32, i32) {
    %get3A = arith.index_cast %arg0 : i32 to index
    %get3A_0 = memref.load %arg1[%get3A] : memref<80xi32, #tpu.memory_space<smem>>
    %c0_i32 = arith.constant 0 : i32
    %c0_i32_1 = arith.constant 0 : i32
    %c0_i32_2 = arith.constant 0 : i32
    return %get3A_0, %c0_i32, %c0_i32_1 : i32, i32, i32
  }
  func.func @transform_3(%arg0: i32, %arg1: memref<80xi32, #tpu.memory_space<smem>>, %arg2: memref<1xi32, #tpu.memory_space<smem>>) -> (i32, i32, i32) {
    %get3A = arith.index_cast %arg0 : i32 to index
    %get3A_0 = memref.load %arg1[%get3A] : memref<80xi32, #tpu.memory_space<smem>>
    %c0_i32 = arith.constant 0 : i32
    %c0_i32_1 = arith.constant 0 : i32
    %c0_i32_2 = arith.constant 0 : i32
    return %get3A_0, %c0_i32, %c0_i32_1 : i32, i32, i32
  }
  func.func @transform_4(%arg0: i32, %arg1: memref<80xi32, #tpu.memory_space<smem>>, %arg2: memref<1xi32, #tpu.memory_space<smem>>) -> (i32, i32, i32) {
    %get3A = arith.index_cast %arg0 : i32 to index
    %get3A_0 = memref.load %arg1[%get3A] : memref<80xi32, #tpu.memory_space<smem>>
    %c0_i32 = arith.constant 0 : i32
    %c0_i32_1 = arith.constant 0 : i32
    %c0_i32_2 = arith.constant 0 : i32
    return %get3A_0, %c0_i32, %c0_i32_1 : i32, i32, i32
  }
  func.func @transform_5(%arg0: i32, %arg1: memref<80xi32, #tpu.memory_space<smem>>, %arg2: memref<1xi32, #tpu.memory_space<smem>>) -> (i32, i32, i32) {
    %get3A = arith.index_cast %arg0 : i32 to index
    %get3A_0 = memref.load %arg1[%get3A] : memref<80xi32, #tpu.memory_space<smem>>
    %c0_i32 = arith.constant 0 : i32
    %c0_i32_1 = arith.constant 0 : i32
    %c0_i32_2 = arith.constant 0 : i32
    return %get3A_0, %c0_i32, %c0_i32_1 : i32, i32, i32
  }
  func.func @transform_6(%arg0: i32, %arg1: memref<80xi32, #tpu.memory_space<smem>>, %arg2: memref<1xi32, #tpu.memory_space<smem>>) -> (i32, i32) {
    %c0_i32 = arith.constant 0 : i32
    %c0_i32_0 = arith.constant 0 : i32
    return %arg0, %c0_i32 : i32, i32
  }
}

module attributes {stable_mosaic.version = 14 : i64} {
  func.func @_decoder_body(%arg0: i32, %arg1: memref<512x128xf32, #tpu.memory_space<vmem>>, %arg2: memref<512x128xf32, #tpu.memory_space<vmem>>, %arg3: memref<512x2xf32, #tpu.memory_space<vmem>>, %arg4: memref<128x128xf32, #tpu.memory_space<vmem>>, %arg5: memref<128x128xf32, #tpu.memory_space<vmem>>, %arg6: memref<512x1xf32, #tpu.memory_space<vmem>>) attributes {dimension_semantics = [#tpu.dimension_semantics<arbitrary>], iteration_bounds = array<i64: 16>, scalar_prefetch = 0 : i64, scratch_operands = 0 : i64, tpu.core_type = #tpu.core_type<tc>, window_params = [{transform_indices = @transform_0, window_bounds = array<i64: 512, 128>}, {transform_indices = @transform_1, window_bounds = array<i64: 512, 128>}, {transform_indices = @transform_2, window_bounds = array<i64: 512, 2>}, {pipeline_mode = #tpu.pipeline_mode<synchronous>, transform_indices = @transform_3, window_bounds = array<i64: 128, 128>}, {pipeline_mode = #tpu.pipeline_mode<synchronous>, transform_indices = @transform_4, window_bounds = array<i64: 128, 128>}, {transform_indices = @transform_5, window_bounds = array<i64: 512, 1>}]} {
    %get3A = arith.constant 0 : index
    %get3A_0 = arith.constant 0 : index
    %get3A_1 = vector.load %arg3[%get3A, %get3A_0] : memref<512x2xf32, #tpu.memory_space<vmem>>, vector<512x2xf32>
    %slice3A = vector.extract_strided_slice %get3A_1 {offsets = [0, 0], sizes = [512, 1], strides = [1, 1]} : vector<512x2xf32> to vector<512x1xf32>
    %get3A_2 = arith.constant 0 : index
    %get3A_3 = arith.constant 0 : index
    %get3A_4 = vector.load %arg1[%get3A_2, %get3A_3] : memref<512x128xf32, #tpu.memory_space<vmem>>, vector<512x128xf32>
    %mul3A = vector.broadcast %slice3A : vector<512x1xf32> to vector<512x128xf32>
    %mul3A_5 = arith.mulf %mul3A, %get3A_4 : vector<512x128xf32>
    %slice3A_6 = vector.extract_strided_slice %get3A_1 {offsets = [0, 1], sizes = [512, 1], strides = [1, 1]} : vector<512x2xf32> to vector<512x1xf32>
    %get3A_7 = arith.constant 0 : index
    %get3A_8 = arith.constant 0 : index
    %get3A_9 = vector.load %arg2[%get3A_7, %get3A_8] : memref<512x128xf32, #tpu.memory_space<vmem>>, vector<512x128xf32>
    %mul3A_10 = vector.broadcast %slice3A_6 : vector<512x1xf32> to vector<512x128xf32>
    %mul3A_11 = arith.mulf %mul3A_10, %get3A_9 : vector<512x128xf32>
    %add3A = arith.addf %mul3A_5, %mul3A_11 : vector<512x128xf32>
    %iota3A = tpu.iota {dimensions = array<i32: 1>} : vector<512x128xi32>
    %eq3A = arith.constant 78 : i32
    %eq3A_12 = vector.broadcast %eq3A : i32 to vector<512x128xi32>
    %eq3A_13 = arith.cmpi eq, %iota3A, %eq3A_12 : vector<512x128xi32>
    %jit3A = arith.constant 1.000000e+00 : f32
    %broadcast_in_dim3A = vector.broadcast %jit3A : f32 to vector<512x128xf32>
    %select_n3A = arith.select %eq3A_13, %broadcast_in_dim3A, %add3A : vector<512x128xi1>, vector<512x128xf32>
    %get3A_14 = arith.constant 0 : index
    %get3A_15 = arith.constant 0 : index
    %get3A_16 = vector.load %arg4[%get3A_14, %get3A_15] : memref<128x128xf32, #tpu.memory_space<vmem>>, vector<128x128xf32>
    %dot_general3A = arith.constant dense<0.000000e+00> : vector<512x128xf32>
    %dot_general3A_17 = tpu.matmul %select_n3A, %get3A_16, %dot_general3A {dimension_numbers = #tpu.dot_dimension_numbers<[1], [0], [0], [1], [0, 0, 1, 1], [], []>, transpose_lhs_hint = false} : vector<512x128xf32>, vector<128x128xf32>, vector<512x128xf32> -> vector<512x128xf32>
    %max3A = arith.constant 0.000000e+00 : f32
    %max3A_18 = vector.broadcast %max3A : f32 to vector<512x128xf32>
    %max3A_19 = arith.maximumf %dot_general3A_17, %max3A_18 : vector<512x128xf32>
    %eq3A_20 = arith.constant 78 : i32
    %eq3A_21 = vector.broadcast %eq3A_20 : i32 to vector<512x128xi32>
    %eq3A_22 = arith.cmpi eq, %iota3A, %eq3A_21 : vector<512x128xi32>
    %jit3A_23 = arith.constant 1.000000e+00 : f32
    %broadcast_in_dim3A_24 = vector.broadcast %jit3A_23 : f32 to vector<512x128xf32>
    %select_n3A_25 = arith.select %eq3A_22, %broadcast_in_dim3A_24, %max3A_19 : vector<512x128xi1>, vector<512x128xf32>
    %get3A_26 = arith.constant 0 : index
    %get3A_27 = arith.constant 0 : index
    %get3A_28 = vector.load %arg5[%get3A_26, %get3A_27] : memref<128x128xf32, #tpu.memory_space<vmem>>, vector<128x128xf32>
    %dot_general3A_29 = arith.constant dense<0.000000e+00> : vector<512x128xf32>
    %dot_general3A_30 = tpu.matmul %select_n3A_25, %get3A_28, %dot_general3A_29 {dimension_numbers = #tpu.dot_dimension_numbers<[1], [0], [0], [1], [0, 0, 1, 1], [], []>, transpose_lhs_hint = false} : vector<512x128xf32>, vector<128x128xf32>, vector<512x128xf32> -> vector<512x128xf32>
    %slice3A_31 = vector.extract_strided_slice %dot_general3A_30 {offsets = [0, 0], sizes = [512, 1], strides = [1, 1]} : vector<512x128xf32> to vector<512x1xf32>
    %swap3A = arith.constant 0 : index
    %swap3A_32 = arith.constant 0 : index
    %swap3A_33 = vector.load %arg6[%swap3A, %swap3A_32] : memref<512x1xf32, #tpu.memory_space<vmem>>, vector<512x1xf32>
    tpu.vector_store %arg6[%swap3A, %swap3A_32], %slice3A_31 {strides = array<i32>} : memref<512x1xf32, #tpu.memory_space<vmem>>, vector<512x1xf32>,
    return
  }
  func.func @transform_0(%arg0: i32) -> (i32, i32) {
    %c0_i32 = arith.constant 0 : i32
    %c0_i32_0 = arith.constant 0 : i32
    return %arg0, %c0_i32 : i32, i32
  }
  func.func @transform_1(%arg0: i32) -> (i32, i32) {
    %add3A = arith.constant 16 : i32
    %add3A_0 = arith.addi %arg0, %add3A : i32
    %c0_i32 = arith.constant 0 : i32
    %c0_i32_1 = arith.constant 0 : i32
    return %add3A_0, %c0_i32 : i32, i32
  }
  func.func @transform_2(%arg0: i32) -> (i32, i32) {
    %c0_i32 = arith.constant 0 : i32
    %c0_i32_0 = arith.constant 0 : i32
    return %arg0, %c0_i32 : i32, i32
  }
  func.func @transform_3(%arg0: i32) -> (i32, i32) {
    %c0_i32 = arith.constant 0 : i32
    %c0_i32_0 = arith.constant 0 : i32
    %c0_i32_1 = arith.constant 0 : i32
    return %c0_i32, %c0_i32_0 : i32, i32
  }
  func.func @transform_4(%arg0: i32) -> (i32, i32) {
    %c0_i32 = arith.constant 0 : i32
    %c0_i32_0 = arith.constant 0 : i32
    %c0_i32_1 = arith.constant 0 : i32
    return %c0_i32, %c0_i32_0 : i32, i32
  }
  func.func @transform_5(%arg0: i32) -> (i32, i32) {
    %c0_i32 = arith.constant 0 : i32
    %c0_i32_0 = arith.constant 0 : i32
    return %arg0, %c0_i32 : i32, i32
  }
}

</mosaic_0001>

<sc_bundles>
// kernel: kernel.10.cloned.1.call-start
scs
__scs_entry_jumppad:
0x0: {  	(pc) =	sbr.rel $0x88, $3  }
0x1: {  	(tag) =	ssettag $0x0;
	lr =	simm.s32 $0x1  }
0x2: {  	[smem:$0x3F8D] =	sst lr;
	_ =	strace $0xD0000000  }
0x3: {  	_ = 	snop  }
0x4: {  	_ = 	snop  }
0x5: {  	_ = 	snop  }
0x6: {  	_ = 	snop  }
0x7: {  	_ = 	snop  }
__scs_overlays_trampoline_lowered:
0x8: {  	[smem:$0x3F9C] =	sst s0  }
0x9: {  	[smem:$0x3F9D] =	sst s1  }
0xa: {  	[smem:$0x3F9E] =	sst s2  }
0xb: {  	[smem:$0x3F9F] =	sst s3  }
0xc: {  	[smem:$0x3FA0] =	sst s4  }
0xd: {  	[smem:$0x3FA1] =	sst s5  }
0xe: {  	[smem:$0x3FA2] =	sst s6  }
0xf: {  	[smem:$0x3FA3] =	sst s7  }
0x10: {  	[smem:$0x3FA4] =	sst s8  }
0x11: {  	[smem:$0x3FA5] =	sst s9;
	s0 =	simm.s32 @!p0 $0x0  }
0x12: {  	s1 =	sld [smem:$0x3F8B];
	s0 =	simm.s32 @p0 $0x1  }
0x13: {  	[smem:$0x3FA6] =	sst s0;
	s0 =	simm.s32 @!p1 $0x0  }
0x14: {  	s2 =	sld [smem:$0x3F8A];
	s0 =	simm.s32 @p1 $0x1  }
0x15: {  	[smem:$0x3FA7] =	sst s0;
	s0 =	simm.s32 @!p2 $0x0  }
0x16: {  	s3 =	sld [smem:$0x3FDB];
	s0 =	simm.s32 @p2 $0x1  }
0x17: {  	s4 =	simm.s32 $0x1BF5;
	[smem:$0x3FA9] =	sst s0  }
0x18: {  	s0 =	sld [smem:$0x3F8C];
	_ =	swait.ge [sflag:s4], $0x0  }
0x19: {  	s7 =	sld [smem:$0x3F8D]  }
0x1a: {  	s8 =	sadd.s32 $0xFFFFE003, lr  }
0x1b: {  	s9 =	sadd.s32 $0xFFFFFEF7, lr;
	s5 =	simm.s32 $0xFFFFFFFF;
	p2 =	slt.u32 s8, $0xFFFFF086  }
0x1c: {  	p1 =	slt.u32 s9, $0xF7A;
	s5 =	simm.s32 @!p2 $0x0  }
0x1d: {  	s5 =	simm.s32 @p1 $0x1;
	p0 =	seq.s32 s7, s2  }
0x1e: {  	s7 =	smul.u32 @!p0 $0xF7A, s2;
	p2 =	seq.s32 @!p0 s5, $0x0  }
0x1f: {  	s9 =	smul.u32 $0xF7A, s1;
	s8 =	simm.s32 @!p0 $0x1BF5;
	p2 =	por !p2, p0  }
0x20: {  	[sflag:s8] =	ssyncset.s32 @!p0 $0xFFFFF086;
	s6 =	sadd.s32 @!p0 s3, s7;
	s7 =	simm.s32 @!p0 $0x108  }
0x21: {  	s3 =	sadd.s32 s3, s9;
	s6 =	sadd.s32 @!p0 $0x88, s6;
	s7 =	simm.s32 @p2 $0x1082  }
0x22: {  	[simem:s7], [sflag:s8] =	dma.local @!p0 [hbm:s6], $0xF7A  }
0x23: {  	s9 =	sor.u32 $0xD0000000, s2;
	s6 =	simm.s32 $0x108;
	_ =	swait.ge @!p0 [sflag:s8], $0x0  }
0x24: {  	s3 =	sadd.s32 $0x88, s3;
	s6 =	simm.s32 @!p1 $0x1082;
	[sflag:s4] =	ssyncset.s32 $0xFFFFF086  }
0x25: {  	[simem:s6], [sflag:s4] =	dma.local [hbm:s3], $0xF7A  }
0x26: {  	[smem:$0x3F8D] =	sst s1;
	(tag) =	ssettag s2;
	_ =	strace s9  }
0x27: {  	s1 =	sld [smem:$0x3F9D]  }
0x28: {  	s2 =	sld [smem:$0x3F9E]  }
0x29: {  	s4 =	sld [smem:$0x3FA0]  }
0x2a: {  	p0 =	seq.s32 s5, $0x0;
	s5 =	sld [smem:$0x3FA1]  }
0x2b: {  	s6 =	sld [smem:$0x3FA2]  }
0x2c: {  	s7 =	sld [smem:$0x3FA3]  }
0x2d: {  	s3 =	simm.s32 $0x108;
	s8 =	sld [smem:$0x3FA4]  }
0x2e: {  	s3 =	simm.s32 @!p0 $0x1082;
	s9 =	sld [smem:$0x3FA5]  }
0x2f: {  	lr =	sadd.s32 s0, s3;
	s0 =	sld [smem:$0x3F9C]  }
0x30: {  	s3 =	sld [smem:$0x3F9F]  }
0x31: {  	[smem:$0x3FA8] =	sst s10  }
0x32: {  	s10 =	sld [smem:$0x3FA6];
	_ =	sdelay $0x3  }
0x33: {  	p0 =	seq.s32 s10, $0x1;
	s10 =	sld [smem:$0x3FA8];
	_ =	sdelay $0x3  }
0x34: {  	[smem:$0x3FA8] =	sst s10  }
0x35: {  	s10 =	sld [smem:$0x3FA7];
	_ =	sdelay $0x3  }
0x36: {  	p1 =	seq.s32 s10, $0x1;
	s10 =	sld [smem:$0x3FA8];
	_ =	sdelay $0x3  }
0x37: {  	[smem:$0x3FA8] =	sst s10  }
0x38: {  	s10 =	sld [smem:$0x3FA9]  }
0x39: {  	_ = 	snop;
	(pc) =	sbr.ind lr, $3  }
0x3a: {  	_ = 	snop  }
0x3b: {  	_ = 	snop  }
0x3c: {  	p2 =	seq.s32 s10, $0x1;
	s10 =	sld [smem:$0x3FA8]  }
0x3d: {  	_ =	shalt  }
0x3e: {  	_ =	shalt  }
0x3f: {  	_ =	shalt  }
0x40: {  	_ =	shalt  }
0x41: {  	_ =	shalt  }
0x42: {  	_ =	shalt  }
0x43: {  	_ =	shalt  }
0x44: {  	_ =	shalt  }
0x45: {  	_ =	shalt  }
0x46: {  	_ =	shalt  }
0x47: {  	_ =	shalt  }
0x48: {  	_ =	shalt  }
0x49: {  	_ =	shalt  }
0x4a: {  	_ =	shalt  }
0x4b: {  	_ =	shalt  }
0x4c: {  	_ =	shalt  }
0x4d: {  	_ =	shalt  }
0x4e: {  	_ =	shalt  }
0x4f: {  	_ =	shalt  }
0x50: {  	_ =	shalt  }
0x51: {  	_ =	shalt  }
0x52: {  	_ =	shalt  }
0x53: {  	_ =	shalt  }
0x54: {  	_ =	shalt  }
0x55: {  	_ =	shalt  }
0x56: {  	_ =	shalt  }
0x57: {  	_ =	shalt  }
0x58: {  	_ =	shalt  }
0x59: {  	_ =	shalt  }
0x5a: {  	_ =	shalt  }
0x5b: {  	_ =	shalt  }
0x5c: {  	_ =	shalt  }
0x5d: {  	_ =	shalt  }
0x5e: {  	_ =	shalt  }
0x5f: {  	_ =	shalt  }
0x60: {  	_ =	shalt  }
0x61: {  	_ =	shalt  }
0x62: {  	_ =	shalt  }
0x63: {  	_ =	shalt  }
0x64: {  	_ =	shalt  }
0x65: {  	_ =	shalt  }
0x66: {  	_ =	shalt  }
0x67: {  	_ =	shalt  }
0x68: {  	_ =	shalt  }
0x69: {  	_ =	shalt  }
0x6a: {  	_ =	shalt  }
0x6b: {  	_ =	shalt  }
0x6c: {  	_ =	shalt  }
0x6d: {  	_ =	shalt  }
0x6e: {  	_ =	shalt  }
0x6f: {  	_ =	shalt  }
0x70: {  	_ =	shalt  }
0x71: {  	_ =	shalt  }
0x72: {  	_ =	shalt  }
0x73: {  	_ =	shalt  }
0x74: {  	_ =	shalt  }
0x75: {  	_ =	shalt  }
0x76: {  	_ =	shalt  }
0x77: {  	_ =	shalt  }
0x78: {  	_ =	shalt  }
0x79: {  	_ =	shalt  }
0x7a: {  	_ =	shalt  }
0x7b: {  	_ =	shalt  }
0x7c: {  	_ =	shalt  }
0x7d: {  	_ =	shalt  }
0x7e: {  	_ =	shalt  }
0x7f: {  	_ =	shalt  }
0x80: {  	_ =	shalt  }
0x81: {  	_ =	shalt  }
0x82: {  	_ =	shalt  }
0x83: {  	_ =	shalt  }
0x84: {  	_ =	shalt  }
0x85: {  	_ =	shalt  }
0x86: {  	_ =	shalt  }
0x87: {  	_ =	shalt  }
.Lfunc_end0:
.L_simem_size_0:
called_computation.1_lowered:
.L_overlay_start_0:
0x88: {  	s2 =	sld [smem:$0x3FD9]  }
0x89: {  	s3 =	sld [smem:$0x3FFE];
	_ =	sdelay $0x1  }
0x8a: {  	s1 =	srdreg.scid  }
0x8b: {  	s0 =	sand.u32 $0x1, s1  }
0x8c: {  	s16 =	sshll.u32 s0, $0xA;
	s2 =	sadd.s32 s3, s2  }
0x8d: {  	s2 =	sadd.s32 s2, s16  }
0x8e: {  	[smem:$0x3FB4] =	sst s2  }
0x8f: {  	_ = 	snop  }
0x90: {  	(tm) =	ssettm $0x1  }
0x91: {  	s17 =	sld [smem:$0x3FFB];
	_ =	sdelay $0x3  }
0x92: {  	_ =	strace s17  }
0x93: {  	s2 =	sld [smem:$0x3FFC];
	_ =	sdelay $0x3  }
0x94: {  	_ =	strace s2  }
0x95: {  	s2 =	sld [smem:$0x3FFD];
	_ =	sdelay $0x3  }
0x96: {  	_ =	strace s2  }
0x97: {  	_ =	strace $0x8FFFFFFF  }
0x98: {  	s18 =	sld [smem:$0x3FDB];
	_ =	sdelay $0x1  }
0x99: {  	s19 =	simm.s32 $_scs_section_size  }
0x9a: {  	s4 =	simm.s32 $_size__tile_overlayer_lowered;
	s5 =	simm.s32 $_tile_overlayer_lowered  }
0x9b: {  	s22 =	simm.s32 $0x1BFF;
	s21 =	sshll.u32 s5, $0x1;
	s2 =	sadd.s32 s19, s18  }
0x9c: {  	s6 =	simm.s32 $0x0;
	s20 =	sshll.u32 s4, $0x1;
	s4 =	sadd.s32 s21, s2  }
0x9d: {  	[timem:s6], [sflag:s22] =	dma.local [hbm:s4], s20  }
0x9e: {  	_ =	swait.ge [sflag:s22], s20  }
0x9f: {  	s3 =	ssub.s32 $0x0, s20;
	[sflag:s22] =	ssyncset.done $0x0  }
0xa0: {  	[sflag:s22] =	ssyncadd.s32 s3;
	_ =	sdelay $0x1  }
0xa1: {  	s23 =	simm.s32 $0x1B8B  }
0xa2: {  	_ =	swait.ge [sflag:s23], $0x1  }
0xa3: {  	[sflag:s23] =	ssyncset.done $0x0  }
0xa4: {  	s25 =	simm.s32 $0x1B8E;
	s24 =	sld [smem:$0x3FFE];
	[sflag:s23] =	ssyncadd.s32 $0xFFFFFFFF  }
0xa5: {  	s26 =	simm.s32 $execute0_lowered;
	[smem:$0x3FD2] =	sst s25  }
0xa6: {  	s4 =	sshll.u32 s26, $0x1;
	_ =	strace $0x80000049;
	[dreg:$0x1] =	wrdreg $0xFFFFFFFF  }
0xa7: {  	s28 =	simm.s32 $_size_execute0_lowered;
	s2 =	sadd.s32 s2, s4;
	[dreg:$0x0] =	wrdreg $0x0  }
0xa8: {  	s4 =	sshll.u32 s28, $0x1;
	[dreg:$0x2] =	wrdreg s2  }
0xa9: {  	[dreg:$0x3] =	wrdreg s4  }
0xaa: {  	[dreg:$0x4] =	wrdreg $0xC0  }
0xab: {  	_ =	task [dreg:s6], $0x5FFFF  }
0xac: {  	[dreg:$0x1] =	wrdreg $0xFFFFFFFF  }
0xad: {  	[dreg:$0x0] =	wrdreg $0x60  }
0xae: {  	[dreg:$0x2] =	wrdreg s24  }
0xaf: {  	[dreg:$0x3] =	wrdreg $0x9  }
0xb0: {  	_ =	task.clear_ibuf [dreg:s6], $0x4FFFF;
	_ =	strace $0x90000049  }
0xb1: {  	s29 =	simm.s32 $0x9;
	_ =	strace $0x8000004B  }
0xb2: {  	_ =	swait.ge [sflag:s29], $0x1  }
0xb3: {  	[sflag:s29] =	ssyncadd.s32 $0xFFFFFFFF  }
0xb4: {  	_ =	strace $0x9000004B  }
0xb5: {  	_ =	sfence  }
0xb6: {  	s30 =	sld [smem:$0x0];
	_ =	sdelay $0x2  }
0xb7: {  	s31 =	sshll.u32 s1, $0xD;
	s1 =	sshrl.u32 s1, $0x2  }
0xb8: {  	s3 =	sand.u32 $0x4000, s31;
	s1 =	sadd.s32 s1, s30  }
0xb9: {  	s0 =	sor.u32 s3, s0;
	s1 =	sshll.u32 s1, $0x11  }
0xba: {  	s0 =	sor.u32 s1, s0  }
0xbb: {  	s0 =	sadd.s32 $0x8F2B, s0  }
0xbc: {  	[sflag:s0] =	ssyncadd.remote.s32 $0x1  }
0xbd: {  	_ =	sfence.sel $0xFFFF  }
0xbe: {  	[dreg:$0x0] =	wrdreg $0xFFFFFFFF;
	(pc) =	sbr.abs _section_cstart, $3  }
0xbf: {  	[dreg:$0x1] =	wrdreg $0xFFFFFFFF  }
0xc0: {  	_ =	task.clear_ibuf [dreg:s6], $0x2FFFF;
	_ =	strace $0x9FFFFFFF  }
0xc1: {  	(tm) =	ssettm $0x7FFFFFFF  }
tec
execute0_lowered:
.L_overlay_start_1:
0x0: {  	(tag) =	ssettag $0x1  }
0x1: {  	s1 =	srdreg.scid  }
0x2: {  	s0 =	stileid.u32;
	s22 =	sand.u32 $0x1, s1  }
0x3: {  	s29 =	sshll.u32 s0, $0xA;
	s3 =	sshll.u32 s22, $0x9  }
0x4: {  	s2 =	rddreg [dreg:$0x0];
	s23 =	sor.u32 s3, s29  }
0x5: {  	s1 =	rddreg [dreg:$0x1];
	s3 =	simm.s32 $0x0;
	s4 =	sshrl.u32 s23, $0x3  }
0x6: {  	[smem:$0x7FF] =	sst s3;
	s4 =	sadd.s32 s4, s2  }
0x7: {  	_ =	strace $0x8000004A;
	s5 =	sadd.s32 $0x71600, s4;
	s4 =	simm.s32 $0x2  }
0x8: {  	[tilespmem:s3], [sflag:$0x2] =	stream.linear.gather [hbm4b:s5+s3], $0x200, $0x38;
	[tilespmem:$0x10200] =	vst v63  }
0x9: {  	_ =	swait.ge [sflag:s4], $0x200  }
0xa: {  	[sflag:s4] =	ssyncset.done $0x0  }
0xb: {  	s6 =	simm.s32 $0x40;
	s7 =	simm.s32 $0x200;
	[sflag:s4] =	ssyncadd.s32 $0xFFFFFE00  }
0xc: {  	[tilespmem:s7], [sflag:$0x1] =	stream.indirect.gather [hbm4b:s2+s6], $0x80, s3, s6, $0xb8;
	[tilespmem:$0x10200] =	vst v63  }
0xd: {  	s8 =	simm.s32 $0x2200  }
0xe: {  	[tilespmem:s8], [sflag:$0x1] =	stream.indirect.gather [hbm4b:s2+s6], $0x80, s6, s6, $0xb8;
	[tilespmem:$0x10200] =	vst v63  }
0xf: {  	s9 =	simm.s32 $0x80;
	s10 =	simm.s32 $0x4200  }
0x10: {  	[tilespmem:s10], [sflag:$0x1] =	stream.indirect.gather [hbm4b:s2+s6], $0x80, s9, s6, $0xb8;
	[tilespmem:$0x10200] =	vst v63  }
0x11: {  	s11 =	simm.s32 $0xC0;
	s12 =	simm.s32 $0x6200  }
0x12: {  	[tilespmem:s12], [sflag:$0x1] =	stream.indirect.gather [hbm4b:s2+s6], $0x80, s11, s6, $0xb8;
	[tilespmem:$0x10200] =	vst v63  }
0x13: {  	s13 =	simm.s32 $0x100;
	s14 =	simm.s32 $0x8200  }
0x14: {  	[tilespmem:s14], [sflag:$0x1] =	stream.indirect.gather [hbm4b:s2+s6], $0x80, s13, s6, $0xb8;
	[tilespmem:$0x10200] =	vst v63  }
0x15: {  	s15 =	simm.s32 $0x140;
	s16 =	simm.s32 $0xA200  }
0x16: {  	[tilespmem:s16], [sflag:$0x1] =	stream.indirect.gather [hbm4b:s2+s6], $0x80, s15, s6, $0xb8;
	[tilespmem:$0x10200] =	vst v63  }
0x17: {  	s17 =	simm.s32 $0x180;
	s18 =	simm.s32 $0xC200  }
0x18: {  	[tilespmem:s18], [sflag:$0x1] =	stream.indirect.gather [hbm4b:s2+s6], $0x80, s17, s6, $0xb8;
	[tilespmem:$0x10200] =	vst v63  }
0x19: {  	s19 =	simm.s32 $0x1C0;
	s20 =	simm.s32 $0xE200;
	s21 =	simm.s32 $0x1  }
0x1a: {  	[tilespmem:s20], [sflag:$0x1] =	stream.indirect.gather [hbm4b:s2+s6], $0x80, s19, s6, $0xb8;
	[tilespmem:$0x10200] =	vst v63  }
0x1b: {  	_ =	swait.ge [sflag:s21], $0x2000  }
0x1c: {  	[sflag:s21] =	ssyncset.done $0x0  }
0x1d: {  	[sflag:s21] =	ssyncadd.s32 $0xFFFFE000  }
0x1e: {  	_ =	swait.ge [sflag:s21], $0x2000  }
0x1f: {  	[sflag:s21] =	ssyncset.done $0x0  }
0x20: {  	[sflag:s21] =	ssyncadd.s32 $0xFFFFE000  }
0x21: {  	_ =	swait.ge [sflag:s21], $0x2000  }
0x22: {  	[sflag:s21] =	ssyncset.done $0x0  }
0x23: {  	[sflag:s21] =	ssyncadd.s32 $0xFFFFE000  }
0x24: {  	_ =	swait.ge [sflag:s21], $0x2000  }
0x25: {  	[sflag:s21] =	ssyncset.done $0x0  }
0x26: {  	[sflag:s21] =	ssyncadd.s32 $0xFFFFE000  }
0x27: {  	_ =	swait.ge [sflag:s21], $0x2000  }
0x28: {  	[sflag:s21] =	ssyncset.done $0x0  }
0x29: {  	[sflag:s21] =	ssyncadd.s32 $0xFFFFE000  }
0x2a: {  	_ =	swait.ge [sflag:s21], $0x2000  }
0x2b: {  	[sflag:s21] =	ssyncset.done $0x0  }
0x2c: {  	s22 =	ssub.s32 $0x2, s22;
	[sflag:s21] =	ssyncadd.s32 $0xFFFFE000  }
0x2d: {  	s24 =	sshrl.u32 s22, $0x1;
	_ =	swait.ge [sflag:s21], $0x2000  }
0x2e: {  	s24 =	ssub.s32 s22, s24;
	[sflag:s21] =	ssyncset.done $0x0  }
0x2f: {  	s31 =	smax.u32 s24, $0x1;
	[sflag:s21] =	ssyncadd.s32 $0xFFFFE000  }
0x30: {  	s23 =	sshll.u32 s23, $0x4;
	p0 =	sne.s32 s31, $0x1;
	_ =	swait.ge [sflag:s21], $0x2000  }
.Ltmp0:
0x31: {  	s30 =	sadd.s32 s23, s2;
	[sflag:s21] =	ssyncset.done $0x0;
	(pc) =	sbr.rel @!p0 .LBB2_2-.Ltmp0, $4  }
0x32: {  	s22 =	sadd.s32 $0x71E00, s30;
	[sflag:s21] =	ssyncadd.s32 $0xFFFFE000  }
0x33: {  	[hbm4b:s22+s3] =	stream.linear.scatter [tilespmem:s7], [sflag:$0x2], $0x10000, $0x38;
	[tilespmem:$0x10200] =	vst v63  }
0x34: {  	_ =	swait.ge [sflag:s4], $0x10000  }
0x35: {  	s23 =	sadd.s32 $0xFFFFFFFF, s31;
	[sflag:s4] =	ssyncset.done $0x0  }
.LBB2_1:
0x36: {  	p0 =	sne.s32 s23, $0x1;
	s23 =	sadd.s32 $0xFFFFFFFF, s23;
	[sflag:s4] =	ssyncadd.s32 $0xFFFF0000  }
0x37: {  	[tilespmem:s3], [sflag:$0x2] =	stream.linear.gather [hbm4b:s5+s3], $0x200, $0x38;
	[tilespmem:$0x10200] =	vst v63  }
0x38: {  	_ =	swait.ge [sflag:s4], $0x200  }
0x39: {  	[sflag:s4] =	ssyncset.done $0x0  }
0x3a: {  	[sflag:s4] =	ssyncadd.s32 $0xFFFFFE00  }
0x3b: {  	[tilespmem:s7], [sflag:$0x1] =	stream.indirect.gather [hbm4b:s2+s6], $0x80, s3, s6, $0xb8;
	[tilespmem:$0x10200] =	vst v63  }
0x3c: {  	_ = 	snop  }
0x3d: {  	[tilespmem:s8], [sflag:$0x1] =	stream.indirect.gather [hbm4b:s2+s6], $0x80, s6, s6, $0xb8;
	[tilespmem:$0x10200] =	vst v63  }
0x3e: {  	_ = 	snop  }
0x3f: {  	[tilespmem:s10], [sflag:$0x1] =	stream.indirect.gather [hbm4b:s2+s6], $0x80, s9, s6, $0xb8;
	[tilespmem:$0x10200] =	vst v63  }
0x40: {  	_ = 	snop  }
0x41: {  	[tilespmem:s12], [sflag:$0x1] =	stream.indirect.gather [hbm4b:s2+s6], $0x80, s11, s6, $0xb8;
	[tilespmem:$0x10200] =	vst v63  }
0x42: {  	_ = 	snop  }
0x43: {  	[tilespmem:s14], [sflag:$0x1] =	stream.indirect.gather [hbm4b:s2+s6], $0x80, s13, s6, $0xb8;
	[tilespmem:$0x10200] =	vst v63  }
0x44: {  	_ = 	snop  }
0x45: {  	[tilespmem:s16], [sflag:$0x1] =	stream.indirect.gather [hbm4b:s2+s6], $0x80, s15, s6, $0xb8;
	[tilespmem:$0x10200] =	vst v63  }
0x46: {  	_ = 	snop  }
0x47: {  	[tilespmem:s18], [sflag:$0x1] =	stream.indirect.gather [hbm4b:s2+s6], $0x80, s17, s6, $0xb8;
	[tilespmem:$0x10200] =	vst v63  }
0x48: {  	_ = 	snop  }
0x49: {  	[tilespmem:s20], [sflag:$0x1] =	stream.indirect.gather [hbm4b:s2+s6], $0x80, s19, s6, $0xb8;
	[tilespmem:$0x10200] =	vst v63  }
0x4a: {  	_ =	swait.ge [sflag:s21], $0x2000  }
0x4b: {  	[sflag:s21] =	ssyncset.done $0x0  }
0x4c: {  	[sflag:s21] =	ssyncadd.s32 $0xFFFFE000  }
0x4d: {  	_ =	swait.ge [sflag:s21], $0x2000  }
0x4e: {  	[sflag:s21] =	ssyncset.done $0x0  }
0x4f: {  	[sflag:s21] =	ssyncadd.s32 $0xFFFFE000  }
0x50: {  	_ =	swait.ge [sflag:s21], $0x2000  }
0x51: {  	[sflag:s21] =	ssyncset.done $0x0  }
0x52: {  	[sflag:s21] =	ssyncadd.s32 $0xFFFFE000  }
0x53: {  	_ =	swait.ge [sflag:s21], $0x2000  }
0x54: {  	[sflag:s21] =	ssyncset.done $0x0  }
0x55: {  	[sflag:s21] =	ssyncadd.s32 $0xFFFFE000  }
0x56: {  	_ =	swait.ge [sflag:s21], $0x2000  }
0x57: {  	[sflag:s21] =	ssyncset.done $0x0  }
0x58: {  	[sflag:s21] =	ssyncadd.s32 $0xFFFFE000  }
0x59: {  	_ =	swait.ge [sflag:s21], $0x2000  }
0x5a: {  	[sflag:s21] =	ssyncset.done $0x0  }
0x5b: {  	[sflag:s21] =	ssyncadd.s32 $0xFFFFE000  }
0x5c: {  	_ =	swait.ge [sflag:s21], $0x2000  }
0x5d: {  	[sflag:s21] =	ssyncset.done $0x0  }
0x5e: {  	[sflag:s21] =	ssyncadd.s32 $0xFFFFE000  }
0x5f: {  	_ =	swait.ge [sflag:s21], $0x2000  }
.Ltmp1:
0x60: {  	[sflag:s21] =	ssyncset.done $0x0;
	(pc) =	sbr.rel @p0 .LBB2_1-.Ltmp1, $4  }
0x61: {  	[sflag:s21] =	ssyncadd.s32 $0xFFFFE000  }
0x62: {  	[hbm4b:s22+s3] =	stream.linear.scatter [tilespmem:s7], [sflag:$0x2], $0x10000, $0x38;
	[tilespmem:$0x10200] =	vst v63  }
0x63: {  	_ =	swait.ge [sflag:s4], $0x10000  }
0x64: {  	[sflag:s4] =	ssyncset.done $0x0  }
.LBB2_2:
0x65: {  	[sflag:s4] =	ssyncadd.s32 $0xFFFF0000  }
0x66: {  	_ =	sfence.sel $0x180000  }
0x67: {  	[bflag:$0x0] =	sbarrier.arrive $0xFFFF  }
0x68: {  	p0 =	sne.s32 s0, $0x0;
	_ =	strace $0x9000004A  }
0x69: {  	s0 =	sadd.s32 @!p0 $0x100000, s1;
	[bflag:$0x2] =	sbarrier.arrive $0xFFFF  }
0x6a: {  	[sflag:s0] =	ssyncadd.tile.s32 @!p0 $0x1;
	_ =	shalt  }
.Lfunc_end2:
_tile_overlayer_lowered:
.L_overlay_start_2:
0x6b: {  	(tag) =	ssettag $0x2  }
0x6c: {  	s0 =	rddreg [dreg:$0x0];
	s2 =	stileid.u32  }
0x6d: {  	s1 =	rddreg [dreg:$0x1];
	p0 =	sne.s32 s2, $0x0  }
0x6e: {  	s3 =	rddreg [dreg:$0x2];
	[bflag:$0x3] =	sbarrier.arrive $0xFFFF;
	s2 =	simm.s32 @!p0 $0x1C02  }
0x6f: {  	[timem:s3], [sflag:s2] =	dma.local @!p0 [hbm:s0], s1  }
0x70: {  	s0 =	simm.s32 @!p0 $0x2  }
0x71: {  	_ =	swait.ge @!p0 [sflag:s0], s1  }
0x72: {  	s1 =	ssub.s32 @!p0 $0x0, s1;
	[sflag:s0] =	ssyncset.done @!p0 $0x0  }
0x73: {  	[sflag:s0] =	ssyncadd.s32 @!p0 s1  }
0x74: {  	[bflag:$0x3] =	sbarrier.arrive $0xFFFF  }
0x75: {  	_ =	shalt  }

// kernel: kernel.7.cloned.1.call-start
scs
__scs_entry_jumppad:
0x0: {  	(pc) =	sbr.rel $0x88, $3  }
0x1: {  	(tag) =	ssettag $0x0;
	lr =	simm.s32 $0x1  }
0x2: {  	[smem:$0x3F8D] =	sst lr;
	_ =	strace $0xD0000000  }
0x3: {  	_ = 	snop  }
0x4: {  	_ = 	snop  }
0x5: {  	_ = 	snop  }
0x6: {  	_ = 	snop  }
0x7: {  	_ = 	snop  }
__scs_overlays_trampoline_lowered:
0x8: {  	[smem:$0x3F9C] =	sst s0  }
0x9: {  	[smem:$0x3F9D] =	sst s1  }
0xa: {  	[smem:$0x3F9E] =	sst s2  }
0xb: {  	[smem:$0x3F9F] =	sst s3  }
0xc: {  	[smem:$0x3FA0] =	sst s4  }
0xd: {  	[smem:$0x3FA1] =	sst s5  }
0xe: {  	[smem:$0x3FA2] =	sst s6  }
0xf: {  	[smem:$0x3FA3] =	sst s7  }
0x10: {  	[smem:$0x3FA4] =	sst s8  }
0x11: {  	[smem:$0x3FA5] =	sst s9;
	s0 =	simm.s32 @!p0 $0x0  }
0x12: {  	s1 =	sld [smem:$0x3F8B];
	s0 =	simm.s32 @p0 $0x1  }
0x13: {  	[smem:$0x3FA6] =	sst s0;
	s0 =	simm.s32 @!p1 $0x0  }
0x14: {  	s2 =	sld [smem:$0x3F8A];
	s0 =	simm.s32 @p1 $0x1  }
0x15: {  	[smem:$0x3FA7] =	sst s0;
	s0 =	simm.s32 @!p2 $0x0  }
0x16: {  	s3 =	sld [smem:$0x3FDB];
	s0 =	simm.s32 @p2 $0x1  }
0x17: {  	s4 =	simm.s32 $0x1BF5;
	[smem:$0x3FA9] =	sst s0  }
0x18: {  	s0 =	sld [smem:$0x3F8C];
	_ =	swait.ge [sflag:s4], $0x0  }
0x19: {  	s7 =	sld [smem:$0x3F8D]  }
0x1a: {  	s8 =	sadd.s32 $0xFFFFE003, lr  }
0x1b: {  	s9 =	sadd.s32 $0xFFFFFEF7, lr;
	s5 =	simm.s32 $0xFFFFFFFF;
	p2 =	slt.u32 s8, $0xFFFFF086  }
0x1c: {  	p1 =	slt.u32 s9, $0xF7A;
	s5 =	simm.s32 @!p2 $0x0  }
0x1d: {  	s5 =	simm.s32 @p1 $0x1;
	p0 =	seq.s32 s7, s2  }
0x1e: {  	s7 =	smul.u32 @!p0 $0xF7A, s2;
	p2 =	seq.s32 @!p0 s5, $0x0  }
0x1f: {  	s9 =	smul.u32 $0xF7A, s1;
	s8 =	simm.s32 @!p0 $0x1BF5;
	p2 =	por !p2, p0  }
0x20: {  	[sflag:s8] =	ssyncset.s32 @!p0 $0xFFFFF086;
	s6 =	sadd.s32 @!p0 s3, s7;
	s7 =	simm.s32 @!p0 $0x108  }
0x21: {  	s3 =	sadd.s32 s3, s9;
	s6 =	sadd.s32 @!p0 $0x88, s6;
	s7 =	simm.s32 @p2 $0x1082  }
0x22: {  	[simem:s7], [sflag:s8] =	dma.local @!p0 [hbm:s6], $0xF7A  }
0x23: {  	s9 =	sor.u32 $0xD0000000, s2;
	s6 =	simm.s32 $0x108;
	_ =	swait.ge @!p0 [sflag:s8], $0x0  }
0x24: {  	s3 =	sadd.s32 $0x88, s3;
	s6 =	simm.s32 @!p1 $0x1082;
	[sflag:s4] =	ssyncset.s32 $0xFFFFF086  }
0x25: {  	[simem:s6], [sflag:s4] =	dma.local [hbm:s3], $0xF7A  }
0x26: {  	[smem:$0x3F8D] =	sst s1;
	(tag) =	ssettag s2;
	_ =	strace s9  }
0x27: {  	s1 =	sld [smem:$0x3F9D]  }
0x28: {  	s2 =	sld [smem:$0x3F9E]  }
0x29: {  	s4 =	sld [smem:$0x3FA0]  }
0x2a: {  	p0 =	seq.s32 s5, $0x0;
	s5 =	sld [smem:$0x3FA1]  }
0x2b: {  	s6 =	sld [smem:$0x3FA2]  }
0x2c: {  	s7 =	sld [smem:$0x3FA3]  }
0x2d: {  	s3 =	simm.s32 $0x108;
	s8 =	sld [smem:$0x3FA4]  }
0x2e: {  	s3 =	simm.s32 @!p0 $0x1082;
	s9 =	sld [smem:$0x3FA5]  }
0x2f: {  	lr =	sadd.s32 s0, s3;
	s0 =	sld [smem:$0x3F9C]  }
0x30: {  	s3 =	sld [smem:$0x3F9F]  }
0x31: {  	[smem:$0x3FA8] =	sst s10  }
0x32: {  	s10 =	sld [smem:$0x3FA6];
	_ =	sdelay $0x3  }
0x33: {  	p0 =	seq.s32 s10, $0x1;
	s10 =	sld [smem:$0x3FA8];
	_ =	sdelay $0x3  }
0x34: {  	[smem:$0x3FA8] =	sst s10  }
0x35: {  	s10 =	sld [smem:$0x3FA7];
	_ =	sdelay $0x3  }
0x36: {  	p1 =	seq.s32 s10, $0x1;
	s10 =	sld [smem:$0x3FA8];
	_ =	sdelay $0x3  }
0x37: {  	[smem:$0x3FA8] =	sst s10  }
0x38: {  	s10 =	sld [smem:$0x3FA9]  }
0x39: {  	_ = 	snop;
	(pc) =	sbr.ind lr, $3  }
0x3a: {  	_ = 	snop  }
0x3b: {  	_ = 	snop  }
0x3c: {  	p2 =	seq.s32 s10, $0x1;
	s10 =	sld [smem:$0x3FA8]  }
0x3d: {  	_ =	shalt  }
0x3e: {  	_ =	shalt  }
0x3f: {  	_ =	shalt  }
0x40: {  	_ =	shalt  }
0x41: {  	_ =	shalt  }
0x42: {  	_ =	shalt  }
0x43: {  	_ =	shalt  }
0x44: {  	_ =	shalt  }
0x45: {  	_ =	shalt  }
0x46: {  	_ =	shalt  }
0x47: {  	_ =	shalt  }
0x48: {  	_ =	shalt  }
0x49: {  	_ =	shalt  }
0x4a: {  	_ =	shalt  }
0x4b: {  	_ =	shalt  }
0x4c: {  	_ =	shalt  }
0x4d: {  	_ =	shalt  }
0x4e: {  	_ =	shalt  }
0x4f: {  	_ =	shalt  }
0x50: {  	_ =	shalt  }
0x51: {  	_ =	shalt  }
0x52: {  	_ =	shalt  }
0x53: {  	_ =	shalt  }
0x54: {  	_ =	shalt  }
0x55: {  	_ =	shalt  }
0x56: {  	_ =	shalt  }
0x57: {  	_ =	shalt  }
0x58: {  	_ =	shalt  }
0x59: {  	_ =	shalt  }
0x5a: {  	_ =	shalt  }
0x5b: {  	_ =	shalt  }
0x5c: {  	_ =	shalt  }
0x5d: {  	_ =	shalt  }
0x5e: {  	_ =	shalt  }
0x5f: {  	_ =	shalt  }
0x60: {  	_ =	shalt  }
0x61: {  	_ =	shalt  }
0x62: {  	_ =	shalt  }
0x63: {  	_ =	shalt  }
0x64: {  	_ =	shalt  }
0x65: {  	_ =	shalt  }
0x66: {  	_ =	shalt  }
0x67: {  	_ =	shalt  }
0x68: {  	_ =	shalt  }
0x69: {  	_ =	shalt  }
0x6a: {  	_ =	shalt  }
0x6b: {  	_ =	shalt  }
0x6c: {  	_ =	shalt  }
0x6d: {  	_ =	shalt  }
0x6e: {  	_ =	shalt  }
0x6f: {  	_ =	shalt  }
0x70: {  	_ =	shalt  }
0x71: {  	_ =	shalt  }
0x72: {  	_ =	shalt  }
0x73: {  	_ =	shalt  }
0x74: {  	_ =	shalt  }
0x75: {  	_ =	shalt  }
0x76: {  	_ =	shalt  }
0x77: {  	_ =	shalt  }
0x78: {  	_ =	shalt  }
0x79: {  	_ =	shalt  }
0x7a: {  	_ =	shalt  }
0x7b: {  	_ =	shalt  }
0x7c: {  	_ =	shalt  }
0x7d: {  	_ =	shalt  }
0x7e: {  	_ =	shalt  }
0x7f: {  	_ =	shalt  }
0x80: {  	_ =	shalt  }
0x81: {  	_ =	shalt  }
0x82: {  	_ =	shalt  }
0x83: {  	_ =	shalt  }
0x84: {  	_ =	shalt  }
0x85: {  	_ =	shalt  }
0x86: {  	_ =	shalt  }
0x87: {  	_ =	shalt  }
.Lfunc_end0:
.L_simem_size_0:
called_computation_lowered:
.L_overlay_start_0:
0x88: {  	s2 =	sld [smem:$0x3FD9]  }
0x89: {  	s3 =	sld [smem:$0x3FFE];
	_ =	sdelay $0x1  }
0x8a: {  	s1 =	srdreg.scid  }
0x8b: {  	s0 =	sand.u32 $0x1, s1  }
0x8c: {  	s16 =	sshll.u32 s0, $0xA;
	s2 =	sadd.s32 s3, s2  }
0x8d: {  	s2 =	sadd.s32 s2, s16  }
0x8e: {  	[smem:$0x3FB4] =	sst s2  }
0x8f: {  	_ = 	snop  }
0x90: {  	(tm) =	ssettm $0x1  }
0x91: {  	s17 =	sld [smem:$0x3FFB];
	_ =	sdelay $0x3  }
0x92: {  	_ =	strace s17  }
0x93: {  	s2 =	sld [smem:$0x3FFC];
	_ =	sdelay $0x3  }
0x94: {  	_ =	strace s2  }
0x95: {  	s2 =	sld [smem:$0x3FFD];
	_ =	sdelay $0x3  }
0x96: {  	_ =	strace s2  }
0x97: {  	_ =	strace $0x8FFFFFFF  }
0x98: {  	s18 =	sld [smem:$0x3FDB];
	_ =	sdelay $0x1  }
0x99: {  	s19 =	simm.s32 $_scs_section_size  }
0x9a: {  	s4 =	simm.s32 $_size__tile_overlayer_lowered;
	s5 =	simm.s32 $_tile_overlayer_lowered  }
0x9b: {  	s22 =	simm.s32 $0x1BFF;
	s21 =	sshll.u32 s5, $0x1;
	s2 =	sadd.s32 s19, s18  }
0x9c: {  	s6 =	simm.s32 $0x0;
	s20 =	sshll.u32 s4, $0x1;
	s4 =	sadd.s32 s21, s2  }
0x9d: {  	[timem:s6], [sflag:s22] =	dma.local [hbm:s4], s20  }
0x9e: {  	_ =	swait.ge [sflag:s22], s20  }
0x9f: {  	s3 =	ssub.s32 $0x0, s20;
	[sflag:s22] =	ssyncset.done $0x0  }
0xa0: {  	[sflag:s22] =	ssyncadd.s32 s3;
	_ =	sdelay $0x1  }
0xa1: {  	s23 =	simm.s32 $0x1B8B  }
0xa2: {  	_ =	swait.ge [sflag:s23], $0x1  }
0xa3: {  	[sflag:s23] =	ssyncset.done $0x0  }
0xa4: {  	s25 =	simm.s32 $0x1B8E;
	s24 =	sld [smem:$0x3FFE];
	[sflag:s23] =	ssyncadd.s32 $0xFFFFFFFF  }
0xa5: {  	s26 =	simm.s32 $execute0_lowered;
	[smem:$0x3FD2] =	sst s25  }
0xa6: {  	s4 =	sshll.u32 s26, $0x1;
	_ =	strace $0x80000046;
	[dreg:$0x1] =	wrdreg $0xFFFFFFFF  }
0xa7: {  	s28 =	simm.s32 $_size_execute0_lowered;
	s2 =	sadd.s32 s2, s4;
	[dreg:$0x0] =	wrdreg $0x0  }
0xa8: {  	s4 =	sshll.u32 s28, $0x1;
	[dreg:$0x2] =	wrdreg s2  }
0xa9: {  	[dreg:$0x3] =	wrdreg s4  }
0xaa: {  	[dreg:$0x4] =	wrdreg $0xC0  }
0xab: {  	_ =	task [dreg:s6], $0x5FFFF  }
0xac: {  	[dreg:$0x1] =	wrdreg $0xFFFFFFFF  }
0xad: {  	[dreg:$0x0] =	wrdreg $0x60  }
0xae: {  	[dreg:$0x2] =	wrdreg s24  }
0xaf: {  	[dreg:$0x3] =	wrdreg $0x9  }
0xb0: {  	_ =	task.clear_ibuf [dreg:s6], $0x4FFFF;
	_ =	strace $0x90000046  }
0xb1: {  	s29 =	simm.s32 $0x9;
	_ =	strace $0x80000048  }
0xb2: {  	_ =	swait.ge [sflag:s29], $0x1  }
0xb3: {  	[sflag:s29] =	ssyncadd.s32 $0xFFFFFFFF  }
0xb4: {  	_ =	strace $0x90000048  }
0xb5: {  	_ =	sfence  }
0xb6: {  	s30 =	sld [smem:$0x0];
	_ =	sdelay $0x2  }
0xb7: {  	s31 =	sshll.u32 s1, $0xD;
	s1 =	sshrl.u32 s1, $0x2  }
0xb8: {  	s3 =	sand.u32 $0x4000, s31;
	s1 =	sadd.s32 s1, s30  }
0xb9: {  	s0 =	sor.u32 s3, s0;
	s1 =	sshll.u32 s1, $0x11  }
0xba: {  	s0 =	sor.u32 s1, s0  }
0xbb: {  	s0 =	sadd.s32 $0x8F2B, s0  }
0xbc: {  	[sflag:s0] =	ssyncadd.remote.s32 $0x1  }
0xbd: {  	_ =	sfence.sel $0xFFFF  }
0xbe: {  	[dreg:$0x0] =	wrdreg $0xFFFFFFFF;
	(pc) =	sbr.abs _section_cstart, $3  }
0xbf: {  	[dreg:$0x1] =	wrdreg $0xFFFFFFFF  }
0xc0: {  	_ =	task.clear_ibuf [dreg:s6], $0x2FFFF;
	_ =	strace $0x9FFFFFFF  }
0xc1: {  	(tm) =	ssettm $0x7FFFFFFF  }
tec
execute0_lowered:
.L_overlay_start_1:
0x0: {  	(tag) =	ssettag $0x1  }
0x1: {  	s1 =	srdreg.scid;
	s0 =	stileid.u32  }
0x2: {  	s21 =	sand.u32 $0x1, s1;
	s3 =	sshll.u32 s0, $0x1  }
0x3: {  	s9 =	rddreg [dreg:$0x0];
	s6 =	sor.u32 s21, s3  }
0x4: {  	s2 =	simm.s32 $0x0;
	s4 =	simm.s32 $0x400;
	s3 =	sshll.u32 s6, $0xC  }
0x5: {  	s5 =	simm.s32 $0x2;
	[smem:$0x7FF] =	sst s2;
	s3 =	sadd.s32 s3, s9  }
0x6: {  	s1 =	rddreg [dreg:$0x1];
	_ =	strace $0x80000047;
	s3 =	sadd.s32 $0x1600, s3  }
0x7: {  	[tilespmem:s4], [sflag:$0x2] =	stream.linear.gather [hbm4b:s3+s2], $0x8000, $0x38;
	[tilespmem:$0x8400] =	vst v63  }
0x8: {  	s6 =	sshll.u32 s6, $0x6;
	_ =	swait.ge [sflag:s5], $0x8000  }
0x9: {  	s7 =	sadd.s32 s6, s9;
	[sflag:s5] =	ssyncset.done $0x0  }
0xa: {  	s6 =	sadd.s32 $0xE00, s7;
	[sflag:s5] =	ssyncadd.s32 $0xFFFF8000  }
0xb: {  	[tilespmem:s2], [sflag:$0x2] =	stream.linear.gather [hbm4b:s6+s2], $0x200, $0x38;
	[tilespmem:$0x8400] =	vst v63  }
0xc: {  	_ =	swait.ge [sflag:s5], $0x200  }
0xd: {  	[sflag:s5] =	ssyncset.done $0x0  }
0xe: {  	s8 =	simm.s32 $0x200;
	s7 =	sadd.s32 $0x600, s7;
	[sflag:s5] =	ssyncadd.s32 $0xFFFFFE00  }
0xf: {  	[tilespmem:s8], [sflag:$0x2] =	stream.linear.gather [hbm4b:s7+s2], $0x200, $0x38;
	[tilespmem:$0x8400] =	vst v63  }
0x10: {  	_ =	swait.ge [sflag:s5], $0x200  }
0x11: {  	[sflag:s5] =	ssyncset.done $0x0  }
0x12: {  	s10 =	simm.s32 $0x40;
	s9 =	sadd.s32 $0x21600, s9;
	[sflag:s5] =	ssyncadd.s32 $0xFFFFFE00  }
0x13: {  	[hbm4b:s9+s10] =	stream.indirect.scatter [tilespmem:s4], [sflag:$0x1], $0x80, s2, s10, $0xb8;
	[tilespmem:$0x8400] =	vst v63  }
0x14: {  	_ = 	snop  }
0x15: {  	[hbm4b:s9+s10] =	stream.indirect.scatter [tilespmem:s4], [sflag:$0x1], $0x80, s8, s10, $0xb8;
	[tilespmem:$0x8400] =	vst v63  }
0x16: {  	s11 =	simm.s32 $0x80;
	s12 =	simm.s32 $0x2400  }
0x17: {  	[hbm4b:s9+s10] =	stream.indirect.scatter [tilespmem:s12], [sflag:$0x1], $0x80, s11, s10, $0xb8;
	[tilespmem:$0x8400] =	vst v63  }
0x18: {  	s13 =	simm.s32 $0x280  }
0x19: {  	[hbm4b:s9+s10] =	stream.indirect.scatter [tilespmem:s12], [sflag:$0x1], $0x80, s13, s10, $0xb8;
	[tilespmem:$0x8400] =	vst v63  }
0x1a: {  	s14 =	simm.s32 $0x100;
	s15 =	simm.s32 $0x4400  }
0x1b: {  	[hbm4b:s9+s10] =	stream.indirect.scatter [tilespmem:s15], [sflag:$0x1], $0x80, s14, s10, $0xb8;
	[tilespmem:$0x8400] =	vst v63  }
0x1c: {  	s16 =	simm.s32 $0x300  }
0x1d: {  	[hbm4b:s9+s10] =	stream.indirect.scatter [tilespmem:s15], [sflag:$0x1], $0x80, s16, s10, $0xb8;
	[tilespmem:$0x8400] =	vst v63  }
0x1e: {  	s17 =	simm.s32 $0x180;
	s18 =	simm.s32 $0x6400  }
0x1f: {  	[hbm4b:s9+s10] =	stream.indirect.scatter [tilespmem:s18], [sflag:$0x1], $0x80, s17, s10, $0xb8;
	[tilespmem:$0x8400] =	vst v63  }
0x20: {  	s20 =	simm.s32 $0x380;
	s19 =	simm.s32 $0x1  }
0x21: {  	[hbm4b:s9+s10] =	stream.indirect.scatter [tilespmem:s18], [sflag:$0x1], $0x80, s20, s10, $0xb8;
	[tilespmem:$0x8400] =	vst v63  }
0x22: {  	_ =	swait.ge [sflag:s19], $0x2000  }
0x23: {  	[sflag:s19] =	ssyncset.done $0x0  }
0x24: {  	[sflag:s19] =	ssyncadd.s32 $0xFFFFE000  }
0x25: {  	_ =	swait.ge [sflag:s19], $0x2000  }
0x26: {  	[sflag:s19] =	ssyncset.done $0x0  }
0x27: {  	[sflag:s19] =	ssyncadd.s32 $0xFFFFE000  }
0x28: {  	_ =	swait.ge [sflag:s19], $0x2000  }
0x29: {  	[sflag:s19] =	ssyncset.done $0x0  }
0x2a: {  	[sflag:s19] =	ssyncadd.s32 $0xFFFFE000  }
0x2b: {  	_ =	swait.ge [sflag:s19], $0x2000  }
0x2c: {  	[sflag:s19] =	ssyncset.done $0x0  }
0x2d: {  	[sflag:s19] =	ssyncadd.s32 $0xFFFFE000  }
0x2e: {  	_ =	swait.ge [sflag:s19], $0x2000  }
0x2f: {  	s21 =	ssub.s32 $0x2, s21;
	[sflag:s19] =	ssyncset.done $0x0  }
0x30: {  	s22 =	sshrl.u32 s21, $0x1;
	[sflag:s19] =	ssyncadd.s32 $0xFFFFE000  }
0x31: {  	s21 =	ssub.s32 s21, s22;
	_ =	swait.ge [sflag:s19], $0x2000  }
0x32: {  	s21 =	smax.u32 s21, $0x1;
	[sflag:s19] =	ssyncset.done $0x0  }
0x33: {  	p0 =	sne.s32 s21, $0x1;
	[sflag:s19] =	ssyncadd.s32 $0xFFFFE000  }
.Ltmp0:
0x34: {  	_ =	swait.ge [sflag:s19], $0x2000;
	(pc) =	sbr.rel @!p0 .LBB2_2-.Ltmp0, $4  }
0x35: {  	[sflag:s19] =	ssyncset.done $0x0  }
0x36: {  	[sflag:s19] =	ssyncadd.s32 $0xFFFFE000  }
0x37: {  	_ =	swait.ge [sflag:s19], $0x2000  }
0x38: {  	s21 =	sadd.s32 $0xFFFFFFFF, s21;
	[sflag:s19] =	ssyncset.done $0x0  }
.LBB2_1:
0x39: {  	p0 =	sne.s32 s21, $0x1;
	s21 =	sadd.s32 $0xFFFFFFFF, s21;
	[sflag:s19] =	ssyncadd.s32 $0xFFFFE000  }
0x3a: {  	[tilespmem:s4], [sflag:$0x2] =	stream.linear.gather [hbm4b:s3+s2], $0x8000, $0x38;
	[tilespmem:$0x8400] =	vst v63  }
0x3b: {  	_ =	swait.ge [sflag:s5], $0x8000  }
0x3c: {  	[sflag:s5] =	ssyncset.done $0x0  }
0x3d: {  	[sflag:s5] =	ssyncadd.s32 $0xFFFF8000  }
0x3e: {  	[tilespmem:s2], [sflag:$0x2] =	stream.linear.gather [hbm4b:s6+s2], $0x200, $0x38;
	[tilespmem:$0x8400] =	vst v63  }
0x3f: {  	_ =	swait.ge [sflag:s5], $0x200  }
0x40: {  	[sflag:s5] =	ssyncset.done $0x0  }
0x41: {  	[sflag:s5] =	ssyncadd.s32 $0xFFFFFE00  }
0x42: {  	[tilespmem:s8], [sflag:$0x2] =	stream.linear.gather [hbm4b:s7+s2], $0x200, $0x38;
	[tilespmem:$0x8400] =	vst v63  }
0x43: {  	_ =	swait.ge [sflag:s5], $0x200  }
0x44: {  	[sflag:s5] =	ssyncset.done $0x0  }
0x45: {  	[sflag:s5] =	ssyncadd.s32 $0xFFFFFE00  }
0x46: {  	[hbm4b:s9+s10] =	stream.indirect.scatter [tilespmem:s4], [sflag:$0x1], $0x80, s2, s10, $0xb8;
	[tilespmem:$0x8400] =	vst v63  }
0x47: {  	_ = 	snop  }
0x48: {  	[hbm4b:s9+s10] =	stream.indirect.scatter [tilespmem:s4], [sflag:$0x1], $0x80, s8, s10, $0xb8;
	[tilespmem:$0x8400] =	vst v63  }
0x49: {  	_ = 	snop  }
0x4a: {  	[hbm4b:s9+s10] =	stream.indirect.scatter [tilespmem:s12], [sflag:$0x1], $0x80, s11, s10, $0xb8;
	[tilespmem:$0x8400] =	vst v63  }
0x4b: {  	_ = 	snop  }
0x4c: {  	[hbm4b:s9+s10] =	stream.indirect.scatter [tilespmem:s12], [sflag:$0x1], $0x80, s13, s10, $0xb8;
	[tilespmem:$0x8400] =	vst v63  }
0x4d: {  	_ = 	snop  }
0x4e: {  	[hbm4b:s9+s10] =	stream.indirect.scatter [tilespmem:s15], [sflag:$0x1], $0x80, s14, s10, $0xb8;
	[tilespmem:$0x8400] =	vst v63  }
0x4f: {  	_ = 	snop  }
0x50: {  	[hbm4b:s9+s10] =	stream.indirect.scatter [tilespmem:s15], [sflag:$0x1], $0x80, s16, s10, $0xb8;
	[tilespmem:$0x8400] =	vst v63  }
0x51: {  	_ = 	snop  }
0x52: {  	[hbm4b:s9+s10] =	stream.indirect.scatter [tilespmem:s18], [sflag:$0x1], $0x80, s17, s10, $0xb8;
	[tilespmem:$0x8400] =	vst v63  }
0x53: {  	_ = 	snop  }
0x54: {  	[hbm4b:s9+s10] =	stream.indirect.scatter [tilespmem:s18], [sflag:$0x1], $0x80, s20, s10, $0xb8;
	[tilespmem:$0x8400] =	vst v63  }
0x55: {  	_ =	swait.ge [sflag:s19], $0x2000  }
0x56: {  	[sflag:s19] =	ssyncset.done $0x0  }
0x57: {  	[sflag:s19] =	ssyncadd.s32 $0xFFFFE000  }
0x58: {  	_ =	swait.ge [sflag:s19], $0x2000  }
0x59: {  	[sflag:s19] =	ssyncset.done $0x0  }
0x5a: {  	[sflag:s19] =	ssyncadd.s32 $0xFFFFE000  }
0x5b: {  	_ =	swait.ge [sflag:s19], $0x2000  }
0x5c: {  	[sflag:s19] =	ssyncset.done $0x0  }
0x5d: {  	[sflag:s19] =	ssyncadd.s32 $0xFFFFE000  }
0x5e: {  	_ =	swait.ge [sflag:s19], $0x2000  }
0x5f: {  	[sflag:s19] =	ssyncset.done $0x0  }
0x60: {  	[sflag:s19] =	ssyncadd.s32 $0xFFFFE000  }
0x61: {  	_ =	swait.ge [sflag:s19], $0x2000  }
0x62: {  	[sflag:s19] =	ssyncset.done $0x0  }
0x63: {  	[sflag:s19] =	ssyncadd.s32 $0xFFFFE000  }
0x64: {  	_ =	swait.ge [sflag:s19], $0x2000  }
0x65: {  	[sflag:s19] =	ssyncset.done $0x0  }
0x66: {  	[sflag:s19] =	ssyncadd.s32 $0xFFFFE000  }
.Ltmp1:
0x67: {  	_ =	swait.ge [sflag:s19], $0x2000;
	(pc) =	sbr.rel @p0 .LBB2_1-.Ltmp1, $4  }
0x68: {  	[sflag:s19] =	ssyncset.done $0x0  }
0x69: {  	[sflag:s19] =	ssyncadd.s32 $0xFFFFE000  }
0x6a: {  	_ =	swait.ge [sflag:s19], $0x2000  }
0x6b: {  	[sflag:s19] =	ssyncset.done $0x0  }
.LBB2_2:
0x6c: {  	[sflag:s19] =	ssyncadd.s32 $0xFFFFE000  }
0x6d: {  	_ =	sfence.sel $0x180000  }
0x6e: {  	[bflag:$0x0] =	sbarrier.arrive $0xFFFF  }
0x6f: {  	p0 =	sne.s32 s0, $0x0;
	_ =	strace $0x90000047  }
0x70: {  	s0 =	sadd.s32 @!p0 $0x100000, s1;
	[bflag:$0x2] =	sbarrier.arrive $0xFFFF  }
0x71: {  	[sflag:s0] =	ssyncadd.tile.s32 @!p0 $0x1;
	_ =	shalt  }
.Lfunc_end2:
_tile_overlayer_lowered:
.L_overlay_start_2:
0x72: {  	(tag) =	ssettag $0x2  }
0x73: {  	s0 =	rddreg [dreg:$0x0];
	s2 =	stileid.u32  }
0x74: {  	s1 =	rddreg [dreg:$0x1];
	p0 =	sne.s32 s2, $0x0  }
0x75: {  	s3 =	rddreg [dreg:$0x2];
	[bflag:$0x3] =	sbarrier.arrive $0xFFFF;
	s2 =	simm.s32 @!p0 $0x1C02  }
0x76: {  	[timem:s3], [sflag:s2] =	dma.local @!p0 [hbm:s0], s1  }
0x77: {  	s0 =	simm.s32 @!p0 $0x2  }
0x78: {  	_ =	swait.ge @!p0 [sflag:s0], s1  }
0x79: {  	s1 =	ssub.s32 @!p0 $0x0, s1;
	[sflag:s0] =	ssyncset.done @!p0 $0x0  }
0x7a: {  	[sflag:s0] =	ssyncadd.s32 @!p0 s1  }
0x7b: {  	[bflag:$0x3] =	sbarrier.arrive $0xFFFF  }
0x7c: {  	_ =	shalt  }

</sc_bundles>
